<compile_context>
chip_gen: v7x
topology: tpu7x:2x2x1
jax: 0.10.2.dev20260603
libtpu: 0.0.44.dev20260713+nightly
codegen_flags: <defaults>
</compile_context>

<pallas_src>
import functools

import jax
import jax.numpy as jnp
from jax import lax
from jax.experimental import pallas as pl
from jax.experimental.pallas import tpu as pltpu
from jax.experimental.pallas import tpu_sc as plsc

N_NODES = 100000
N_EDGES = 1600000
D_IN = 32
D_OUT = 2
NUM_REL = 2

G = 8
NC = 2
NS = 16
NW = NC * NS
EDGES_PER_TILE = N_EDGES // NW
CHUNK = 2000
ROW_BLK = 2048
NPAD = 102400
ACC_ROWS = NUM_REL * NPAD
PK = ROW_BLK * G // 128
NB = NPAD // ROW_BLK


def _project_body(x_ref, w_ref, o_ref, z_ref):
    y = jnp.dot(x_ref[...], w_ref[...], preferred_element_type=jnp.float32)
    b = y.shape[0]
    ones = jnp.ones((b, 1), jnp.float32)
    zeros = jnp.zeros((b, G - D_OUT - 1), jnp.float32)
    zer3 = jnp.zeros((b, 3), jnp.float32)
    zend = jnp.zeros((b, G - 3 - D_OUT), jnp.float32)
    r0 = jnp.concatenate([y[:, 0:D_OUT], ones, zeros], axis=1)
    r1 = jnp.concatenate([y[:, D_OUT:2 * D_OUT], ones, zeros], axis=1)
    z0 = jnp.concatenate(
        [zer3, 0.5 * y[:, 2 * D_OUT:3 * D_OUT], zend], axis=1)
    rr0 = r0.reshape(b // 16, 16, G)
    rr1 = r1.reshape(b // 16, 16, G)
    zz0 = z0.reshape(b // 16, 16, G)
    for k in range(16):
        o_ref[0, :, k * G:(k + 1) * G] = rr0[:, k, :]
        o_ref[1, :, k * G:(k + 1) * G] = rr1[:, k, :]
        z_ref[0, :, k * G:(k + 1) * G] = zz0[:, k, :]
    z_ref[1] = jnp.zeros((b * G // 128, 128), jnp.float32)


def _project(x, w_full):
    shp = jax.ShapeDtypeStruct((NUM_REL, NPAD * G // 128, 128), jnp.float32)
    zshp = jax.ShapeDtypeStruct((NUM_REL, NPAD * G // 128, 128), jnp.float32)
    return pl.pallas_call(
        _project_body,
        grid=(NB,),
        in_specs=[
            pl.BlockSpec((ROW_BLK, D_IN), lambda i: (i, 0)),
            pl.BlockSpec((D_IN, (NUM_REL + 1) * D_OUT), lambda i: (0, 0)),
        ],
        out_specs=(pl.BlockSpec((NUM_REL, PK, 128), lambda i: (0, i, 0)),
                   pl.BlockSpec((NUM_REL, PK, 128), lambda i: (0, i, 0))),
        out_shape=(shp, zshp),
    )(x, w_full)


def _sc_body(y_hbm, ei_hbm, et_hbm, z_hbm, o_hbm,
             sbuf, dbuf, tbuf, gv, sv, rows_v, acc, sem):
    cid = lax.axis_index("c")
    sid = lax.axis_index("s")
    wid = sid * NC + cid

    rows_per_sub = ACC_ROWS // NS
    zbase = sid * rows_per_sub
    pltpu.sync_copy(z_hbm.at[pl.ds(zbase, rows_per_sub)],
                    acc.at[pl.ds(zbase, rows_per_sub)])
    plsc.subcore_barrier()

    ebase = wid * EDGES_PER_TILE

    @pl.loop(0, EDGES_PER_TILE, step=CHUNK)
    def _(c):
        b = ebase + c
        pltpu.sync_copy(ei_hbm.at[0, pl.ds(b, CHUNK)], sbuf)
        pltpu.sync_copy(ei_hbm.at[1, pl.ds(b, CHUNK)], dbuf)
        pltpu.sync_copy(et_hbm.at[pl.ds(b, CHUNK)], tbuf)

        @pl.loop(0, CHUNK, step=16)
        def _(i):
            t = tbuf[pl.ds(i, 16)] * NPAD
            gv[pl.ds(i, 16)] = t + sbuf[pl.ds(i, 16)]
            sv[pl.ds(i, 16)] = t + dbuf[pl.ds(i, 16)]

        pltpu.async_copy(y_hbm.at[gv], rows_v, sem).wait()
        pltpu.sync_copy(rows_v, acc.at[sv], add=True)

    plsc.subcore_barrier()
    pltpu.sync_copy(acc.at[pl.ds(zbase, rows_per_sub)],
                    o_hbm.at[cid].at[pl.ds(zbase, rows_per_sub)])


def _sc_aggregate(y_flat, ei32, et32, zinit):
    mesh = plsc.VectorSubcoreMesh(core_axis_name="c", subcore_axis_name="s")
    kern = functools.partial(
        pl.kernel,
        mesh=mesh,
        compiler_params=pltpu.CompilerParams(use_tc_tiling_on_sc=False),
        out_type=jax.ShapeDtypeStruct((NC, ACC_ROWS, G), jnp.float32),
        scratch_types=[
            pltpu.VMEM((CHUNK,), jnp.int32),
            pltpu.VMEM((CHUNK,), jnp.int32),
            pltpu.VMEM((CHUNK,), jnp.int32),
            pltpu.VMEM((CHUNK,), jnp.int32),
            pltpu.VMEM((CHUNK,), jnp.int32),
            pltpu.VMEM((CHUNK, G), jnp.float32),
            pltpu.VMEM_SHARED((ACC_ROWS, G), jnp.float32),
            pltpu.SemaphoreType.DMA,
        ],
    )(_sc_body)
    return kern(y_flat, ei32, et32, zinit)


def _final_body(a0_ref, a1_ref, o_ref):
    i128 = lax.broadcasted_iota(jnp.int32, (128, 128), 0)
    j128 = lax.broadcasted_iota(jnp.int32, (128, 128), 1)
    csel = ((j128 // G) * G + 2 == i128).astype(jnp.float32)
    dmask = (j128[0:1, :] % G) < D_OUT
    i16 = lax.broadcasted_iota(jnp.int32, (128, 16), 0)
    j16 = lax.broadcasted_iota(jnp.int32, (128, 16), 1)
    esel = [(i16 == G * j16 + c).astype(jnp.float32) for c in range(D_OUT)]
    rsel = [(i16 == G * j16 + 3 + c).astype(jnp.float32) for c in range(D_OUT)]

    ch = [None] * D_OUT
    for rel, a_ref in enumerate((a0_ref, a1_ref)):
        a = a_ref[...]
        s = a[0] + a[1]
        cntb = jnp.dot(s, csel, preferred_element_type=jnp.float32)
        m = jnp.where(dmask, s / jnp.maximum(cntb, 1.0), s)
        for c in range(D_OUT):
            sel = esel[c] + rsel[c] if rel == 0 else esel[c]
            v = jnp.dot(m, sel, preferred_element_type=jnp.float32)
            ch[c] = v if ch[c] is None else ch[c] + v
    for c in range(D_OUT):
        o_ref[c] = ch[c]


def _final(acc128):
    return pl.pallas_call(
        _final_body,
        grid=(NB,),
        in_specs=[
            pl.BlockSpec((NC, PK, 128), lambda i: (0, i, 0)),
            pl.BlockSpec((NC, PK, 128), lambda i: (0, NB + i, 0)),
        ],
        out_specs=pl.BlockSpec((D_OUT, PK, 16), lambda i: (0, i, 0)),
        out_shape=jax.ShapeDtypeStruct(
            (D_OUT, NPAD * G // 128, 16), jnp.float32),
    )(acc128, acc128)


def kernel(x, edge_index, edge_type, weight, root):
    ei32 = edge_index.astype(jnp.int32)
    et32 = edge_type.astype(jnp.int32)
    w_full = jnp.concatenate([weight[0], weight[1], root], axis=1)

    x_pad = jnp.pad(x, ((0, NPAD - N_NODES), (0, 0)))
    ypk, zpk = _project(x_pad, w_full)
    y_flat = ypk.reshape(NUM_REL * NPAD, G)
    zinit = zpk.reshape(ACC_ROWS, G)
    acc = _sc_aggregate(y_flat, ei32, et32, zinit)
    acc128 = acc.reshape(NC, ACC_ROWS * G // 128, 128)
    out_t = _final(acc128)
    return out_t.reshape(D_OUT, NPAD)[:, :N_NODES].T

# --- scband reference (transcript-rebuilt; emitter-appended) ---
"""Pipeline reference for scband-rgcn-12738873000207 (READ-ONLY COPY).

The authoritative reference and input builder live on the scoring server;
editing this copy changes nothing except your own understanding.
"""

import jax, jax.numpy as jnp
import numpy as np

N_NODES = 100000
N_EDGES = 1600000
D_IN = 32
D_OUT = 2
NUM_REL = 2

def setup_inputs(seed: int = 0) -> dict:
    key = jax.random.key(seed)
    k1, k2, k3, k4, k5 = jax.random.split(key, 5)
    x = jax.random.normal(k1, (N_NODES, D_IN), dtype=jnp.float32)
    edge_index = jax.random.randint(k2, (2, N_EDGES), 0, N_NODES, dtype=jnp.int64)
    edge_type = jax.random.randint(k3, (N_EDGES,), 0, NUM_REL, dtype=jnp.int64)
    # RGCNConv parameters (bias=False): per-relation weight + root weight
    weight = jax.random.normal(k4, (NUM_REL, D_IN, D_OUT), dtype=jnp.float32) / np.sqrt(D_IN)
    root = jax.random.normal(k5, (D_IN, D_OUT), dtype=jnp.float32) / np.sqrt(D_IN)
    return {"x": x, "edge_index": edge_index, "edge_type": edge_type, "weight": weight, "root": root}

def reference(x, edge_index, edge_type, weight, root):
    # PyG RGCNConv (flow source_to_target, aggr='mean', no bias):
    # out_i = x_i @ root + sum_r ( mean_{j in N_r(i)} x_j ) @ W_r
    src = edge_index[0]
    dst = edge_index[1]
    n = x.shape[0]
    msg = jnp.take(x, src, axis=0)  # gather source node features [E, D_IN]
    out = x @ root
    for r in range(NUM_REL):
        mask = (edge_type == r).astype(x.dtype)  # [E]
        summed = jax.ops.segment_sum(msg * mask[:, None], dst, num_segments=n)  # [N, D_IN]
        cnt = jax.ops.segment_sum(mask, dst, num_segments=n)  # [N]
        agg = summed / jnp.maximum(cnt, 1.0)[:, None]
        out = out + agg @ weight[r]
    return out

if __name__ == "__main__":
    import jax
    _d = setup_inputs()
    print(jax.jit(kernel)(*tuple(_d.values())))

</pallas_src>

<mosaic_0001>
#map = affine_map<(d0, d1) -> (0, 0)>
#map1 = affine_map<(d0, d1) -> (0)>
#map2 = affine_map<(d0, d1) -> (0, 0, 0)>
module attributes {stable_mosaic.version = 14 : i64} {
  func.func @_sc_body(%arg0: i32, %arg1: i32, %arg2: memref<204800x8xf32, #tpu.memory_space<hbm>>, %arg3: memref<2x1600000xi32, #tpu.memory_space<hbm>>, %arg4: memref<1600000xi32, #tpu.memory_space<hbm>>, %arg5: memref<204800x8xf32, #tpu.memory_space<hbm>>, %arg6: memref<2x204800x8xf32, #tpu.memory_space<hbm>>, %arg7: memref<2000xi32, #tpu.memory_space<vmem>>, %arg8: memref<2000xi32, #tpu.memory_space<vmem>>, %arg9: memref<2000xi32, #tpu.memory_space<vmem>>, %arg10: memref<2000xi32, #tpu.memory_space<vmem>>, %arg11: memref<2000xi32, #tpu.memory_space<vmem>>, %arg12: memref<2000x8xf32, #tpu.memory_space<vmem>>, %arg13: memref<204800x8xf32, #tpu.memory_space<vmem_shared>>, %arg14: memref<!tpu.dma_semaphore, #tpu.memory_space<semaphore_mem>>) attributes {dimension_semantics = [#tpu.dimension_semantics<core_parallel>, #tpu.dimension_semantics<subcore_parallel>], iteration_bounds = array<i64: 2, 16>, scalar_prefetch = 0 : i64, scratch_operands = 8 : i64, tpu.core_type = #tpu.core_type<sc_vector_subcore>, window_params = [{transform_indices = #map}, {transform_indices = #map}, {transform_indices = #map1}, {transform_indices = #map}, {transform_indices = #map2}]} {
    %mul3A = arith.constant 2 : i32
    %mul3A_0 = arith.muli %arg1, %mul3A : i32
    %add3A = arith.addi %mul3A_0, %arg0 : i32
    %mul3A_1 = arith.constant 12800 : i32
    %mul3A_2 = arith.muli %arg1, %mul3A_1 : i32
    "tpu.region"() ({
      %run_scoped3A = tpu.sem_alloc : memref<!tpu.dma_semaphore, #tpu.memory_space<semaphore_mem>>
      %dma_start3A = arith.constant 0 : i32
      %dma_start3A_10 = tpu.memref_slice %arg13[%mul3A_2, %dma_start3A] : memref<204800x8xf32, #tpu.memory_space<vmem_shared>> -> memref<12800x8xf32, #tpu.memory_space<vmem_shared>>
      %dma_start3A_11 = arith.constant 0 : i32
      %dma_start3A_12 = tpu.memref_slice %arg5[%mul3A_2, %dma_start3A_11] : memref<204800x8xf32, #tpu.memory_space<hbm>> -> memref<12800x8xf32, #tpu.memory_space<hbm>>
      tpu.enqueue_dma source(%dma_start3A_12 : memref<12800x8xf32, #tpu.memory_space<hbm>>) target(%dma_start3A_10 : memref<12800x8xf32, #tpu.memory_space<vmem_shared>>) target_semaphore(%run_scoped3A : memref<!tpu.dma_semaphore, #tpu.memory_space<semaphore_mem>>)
      %dma_wait3A = arith.constant 0 : i32
      %dma_wait3A_13 = tpu.memref_slice %arg13[%mul3A_2, %dma_wait3A] : memref<204800x8xf32, #tpu.memory_space<vmem_shared>> -> memref<12800x8xf32, #tpu.memory_space<vmem_shared>>
      %dma_wait3A_14 = arith.constant 0 : i32
      %dma_wait3A_15 = tpu.memref_slice %arg5[%mul3A_2, %dma_wait3A_14] : memref<204800x8xf32, #tpu.memory_space<hbm>> -> memref<12800x8xf32, #tpu.memory_space<hbm>>
      tpu.wait_dma2 semaphore(%run_scoped3A : memref<!tpu.dma_semaphore, #tpu.memory_space<semaphore_mem>>) src(%dma_wait3A_15 : memref<12800x8xf32, #tpu.memory_space<hbm>>) dst(%dma_wait3A_13 : memref<12800x8xf32, #tpu.memory_space<vmem_shared>>)
      tpu.yield
    }) : () -> ()
    %barrier3A = arith.constant 0 : index
    tpu.barrier barrier_id(%barrier3A)
    %mul3A_3 = arith.constant 50000 : i32
    %mul3A_4 = arith.muli %add3A, %mul3A_3 : i32
    %scan3A = arith.constant 0 : i32
    %scan3A_5 = arith.constant 25 : i32
    %scan3A_6 = arith.addi %scan3A, %scan3A_5 : i32
    %scan3A_7 = arith.constant 1 : i32
    scf.for %scan3A_10 = %scan3A to %scan3A_6 step %scan3A_7  : i32 {
      %mul3A_11 = arith.constant 2000 : i32
      %mul3A_12 = arith.muli %scan3A_10, %mul3A_11 : i32
      %add3A_13 = arith.constant 0 : i32
      %add3A_14 = arith.addi %add3A_13, %mul3A_12 : i32
      %add3A_15 = arith.addi %mul3A_4, %add3A_14 : i32
      %run_scoped3A = arith.constant 0 : i32
      "tpu.region"() ({
        %run_scoped3A_26 = tpu.sem_alloc : memref<!tpu.dma_semaphore, #tpu.memory_space<semaphore_mem>>
        %dma_start3A_27 = tpu.memref_slice %arg3[%run_scoped3A, %add3A_15] : memref<2x1600000xi32, #tpu.memory_space<hbm>> -> memref<1x2000xi32, #tpu.memory_space<hbm>>
        %dma_start3A_28 = tpu.memref_squeeze %dma_start3A_27 : memref<1x2000xi32, #tpu.memory_space<hbm>> -> memref<2000xi32, #tpu.memory_space<hbm>>
        %dma_start3A_29 = tpu.memref_slice %arg3[%run_scoped3A, %add3A_15] : memref<2x1600000xi32, #tpu.memory_space<hbm>> -> memref<1x2000xi32, #tpu.memory_space<hbm>>
        %dma_start3A_30 = tpu.memref_squeeze %dma_start3A_29 : memref<1x2000xi32, #tpu.memory_space<hbm>> -> memref<2000xi32, #tpu.memory_space<hbm>>
        tpu.enqueue_dma source(%dma_start3A_30 : memref<2000xi32, #tpu.memory_space<hbm>>) target(%arg7 : memref<2000xi32, #tpu.memory_space<vmem>>) target_semaphore(%run_scoped3A_26 : memref<!tpu.dma_semaphore, #tpu.memory_space<semaphore_mem>>)
        %dma_wait3A_31 = tpu.memref_slice %arg3[%run_scoped3A, %add3A_15] : memref<2x1600000xi32, #tpu.memory_space<hbm>> -> memref<1x2000xi32, #tpu.memory_space<hbm>>
        %dma_wait3A_32 = tpu.memref_squeeze %dma_wait3A_31 : memref<1x2000xi32, #tpu.memory_space<hbm>> -> memref<2000xi32, #tpu.memory_space<hbm>>
        %dma_wait3A_33 = tpu.memref_slice %arg3[%run_scoped3A, %add3A_15] : memref<2x1600000xi32, #tpu.memory_space<hbm>> -> memref<1x2000xi32, #tpu.memory_space<hbm>>
        %dma_wait3A_34 = tpu.memref_squeeze %dma_wait3A_33 : memref<1x2000xi32, #tpu.memory_space<hbm>> -> memref<2000xi32, #tpu.memory_space<hbm>>
        tpu.wait_dma2 semaphore(%run_scoped3A_26 : memref<!tpu.dma_semaphore, #tpu.memory_space<semaphore_mem>>) src(%dma_wait3A_34 : memref<2000xi32, #tpu.memory_space<hbm>>) dst(%arg7 : memref<2000xi32, #tpu.memory_space<vmem>>)
        tpu.yield
      }) : () -> ()
      %run_scoped3A_16 = arith.constant 1 : i32
      "tpu.region"() ({
        %run_scoped3A_26 = tpu.sem_alloc : memref<!tpu.dma_semaphore, #tpu.memory_space<semaphore_mem>>
        %dma_start3A_27 = tpu.memref_slice %arg3[%run_scoped3A_16, %add3A_15] : memref<2x1600000xi32, #tpu.memory_space<hbm>> -> memref<1x2000xi32, #tpu.memory_space<hbm>>
        %dma_start3A_28 = tpu.memref_squeeze %dma_start3A_27 : memref<1x2000xi32, #tpu.memory_space<hbm>> -> memref<2000xi32, #tpu.memory_space<hbm>>
        %dma_start3A_29 = tpu.memref_slice %arg3[%run_scoped3A_16, %add3A_15] : memref<2x1600000xi32, #tpu.memory_space<hbm>> -> memref<1x2000xi32, #tpu.memory_space<hbm>>
        %dma_start3A_30 = tpu.memref_squeeze %dma_start3A_29 : memref<1x2000xi32, #tpu.memory_space<hbm>> -> memref<2000xi32, #tpu.memory_space<hbm>>
        tpu.enqueue_dma source(%dma_start3A_30 : memref<2000xi32, #tpu.memory_space<hbm>>) target(%arg8 : memref<2000xi32, #tpu.memory_space<vmem>>) target_semaphore(%run_scoped3A_26 : memref<!tpu.dma_semaphore, #tpu.memory_space<semaphore_mem>>)
        %dma_wait3A_31 = tpu.memref_slice %arg3[%run_scoped3A_16, %add3A_15] : memref<2x1600000xi32, #tpu.memory_space<hbm>> -> memref<1x2000xi32, #tpu.memory_space<hbm>>
        %dma_wait3A_32 = tpu.memref_squeeze %dma_wait3A_31 : memref<1x2000xi32, #tpu.memory_space<hbm>> -> memref<2000xi32, #tpu.memory_space<hbm>>
        %dma_wait3A_33 = tpu.memref_slice %arg3[%run_scoped3A_16, %add3A_15] : memref<2x1600000xi32, #tpu.memory_space<hbm>> -> memref<1x2000xi32, #tpu.memory_space<hbm>>
        %dma_wait3A_34 = tpu.memref_squeeze %dma_wait3A_33 : memref<1x2000xi32, #tpu.memory_space<hbm>> -> memref<2000xi32, #tpu.memory_space<hbm>>
        tpu.wait_dma2 semaphore(%run_scoped3A_26 : memref<!tpu.dma_semaphore, #tpu.memory_space<semaphore_mem>>) src(%dma_wait3A_34 : memref<2000xi32, #tpu.memory_space<hbm>>) dst(%arg8 : memref<2000xi32, #tpu.memory_space<vmem>>)
        tpu.yield
      }) : () -> ()
      "tpu.region"() ({
        %run_scoped3A_26 = tpu.sem_alloc : memref<!tpu.dma_semaphore, #tpu.memory_space<semaphore_mem>>
        %dma_start3A_27 = tpu.memref_slice %arg4[%add3A_15] : memref<1600000xi32, #tpu.memory_space<hbm>> -> memref<2000xi32, #tpu.memory_space<hbm>>
        %dma_start3A_28 = tpu.memref_slice %arg4[%add3A_15] : memref<1600000xi32, #tpu.memory_space<hbm>> -> memref<2000xi32, #tpu.memory_space<hbm>>
        tpu.enqueue_dma source(%dma_start3A_28 : memref<2000xi32, #tpu.memory_space<hbm>>) target(%arg9 : memref<2000xi32, #tpu.memory_space<vmem>>) target_semaphore(%run_scoped3A_26 : memref<!tpu.dma_semaphore, #tpu.memory_space<semaphore_mem>>)
        %dma_wait3A_29 = tpu.memref_slice %arg4[%add3A_15] : memref<1600000xi32, #tpu.memory_space<hbm>> -> memref<2000xi32, #tpu.memory_space<hbm>>
        %dma_wait3A_30 = tpu.memref_slice %arg4[%add3A_15] : memref<1600000xi32, #tpu.memory_space<hbm>> -> memref<2000xi32, #tpu.memory_space<hbm>>
        tpu.wait_dma2 semaphore(%run_scoped3A_26 : memref<!tpu.dma_semaphore, #tpu.memory_space<semaphore_mem>>) src(%dma_wait3A_30 : memref<2000xi32, #tpu.memory_space<hbm>>) dst(%arg9 : memref<2000xi32, #tpu.memory_space<vmem>>)
        tpu.yield
      }) : () -> ()
      %scan3A_17 = arith.constant 0 : i32
      %scan3A_18 = arith.constant 125 : i32
      %scan3A_19 = arith.addi %scan3A_17, %scan3A_18 : i32
      %scan3A_20 = arith.constant 1 : i32
      scf.for %scan3A_26 = %scan3A_17 to %scan3A_19 step %scan3A_20  : i32 {
        %mul3A_27 = arith.constant 16 : i32
        %mul3A_28 = arith.muli %scan3A_26, %mul3A_27 : i32
        %add3A_29 = arith.constant 0 : i32
        %add3A_30 = arith.addi %add3A_29, %mul3A_28 : i32
        %get3A = arith.index_cast %add3A_30 : i32 to index
        %get3A_31 = tpu.vector_load %arg9[%get3A] {strides = array<i32>} : memref<2000xi32, #tpu.memory_space<vmem>>, vector<16xi32>,
        %get3A_32 = vector.shape_cast %get3A_31 : vector<16xi32> to vector<16xi32>
        %mul3A_33 = arith.constant 102400 : i32
        %mul3A_34 = vector.broadcast %mul3A_33 : i32 to vector<16xi32>
        %mul3A_35 = arith.muli %get3A_32, %mul3A_34 : vector<16xi32>
        %get3A_36 = arith.index_cast %add3A_30 : i32 to index
        %get3A_37 = tpu.vector_load %arg7[%get3A_36] {strides = array<i32>} : memref<2000xi32, #tpu.memory_space<vmem>>, vector<16xi32>,
        %get3A_38 = vector.shape_cast %get3A_37 : vector<16xi32> to vector<16xi32>
        %add3A_39 = arith.addi %mul3A_35, %get3A_38 : vector<16xi32>
        %swap3A = arith.index_cast %add3A_30 : i32 to index
        %swap3A_40 = tpu.vector_load %arg10[%swap3A] {strides = array<i32>} : memref<2000xi32, #tpu.memory_space<vmem>>, vector<16xi32>,
        %swap3A_41 = vector.shape_cast %swap3A_40 : vector<16xi32> to vector<16xi32>
        %swap3A_42 = vector.shape_cast %add3A_39 : vector<16xi32> to vector<16xi32>
        tpu.vector_store %arg10[%swap3A], %swap3A_42 {strides = array<i32>} : memref<2000xi32, #tpu.memory_space<vmem>>, vector<16xi32>,
        %get3A_43 = arith.index_cast %add3A_30 : i32 to index
        %get3A_44 = tpu.vector_load %arg8[%get3A_43] {strides = array<i32>} : memref<2000xi32, #tpu.memory_space<vmem>>, vector<16xi32>,
        %get3A_45 = vector.shape_cast %get3A_44 : vector<16xi32> to vector<16xi32>
        %add3A_46 = arith.addi %mul3A_35, %get3A_45 : vector<16xi32>
        %swap3A_47 = arith.index_cast %add3A_30 : i32 to index
        %swap3A_48 = tpu.vector_load %arg11[%swap3A_47] {strides = array<i32>} : memref<2000xi32, #tpu.memory_space<vmem>>, vector<16xi32>,
        %swap3A_49 = vector.shape_cast %swap3A_48 : vector<16xi32> to vector<16xi32>
        %swap3A_50 = vector.shape_cast %add3A_46 : vector<16xi32> to vector<16xi32>
        tpu.vector_store %arg11[%swap3A_47], %swap3A_50 {strides = array<i32>} : memref<2000xi32, #tpu.memory_space<vmem>>, vector<16xi32>,
      }
      %scan3A_21 = arith.constant 125 : i32
      %dma_start3A = arith.constant 0 : i32
      %dma_start3A_22 = arith.constant 0 : i32
      %dma_start3A_23 = tpu.memref_slice %arg2[%dma_start3A, %dma_start3A_22] : memref<204800x8xf32, #tpu.memory_space<hbm>> -> memref<204800x8xf32, #tpu.memory_space<hbm>>
      tpu.enqueue_indirect_dma source(%dma_start3A_23 : memref<204800x8xf32, #tpu.memory_space<hbm>>) target(%arg12 : memref<2000x8xf32, #tpu.memory_space<vmem>>) offsets(%arg10 : memref<2000xi32, #tpu.memory_space<vmem>>) semaphore(%arg14 : memref<!tpu.dma_semaphore, #tpu.memory_space<semaphore_mem>>)
      %dma_wait3A = arith.constant 0 : i32
      %dma_wait3A_24 = arith.constant 0 : i32
      %dma_wait3A_25 = tpu.memref_slice %arg2[%dma_wait3A, %dma_wait3A_24] : memref<204800x8xf32, #tpu.memory_space<hbm>> -> memref<204800x8xf32, #tpu.memory_space<hbm>>
      tpu.wait_indirect_dma semaphore(%arg14 : memref<!tpu.dma_semaphore, #tpu.memory_space<semaphore_mem>>) src(%dma_wait3A_25 : memref<204800x8xf32, #tpu.memory_space<hbm>>) dst(%arg12 : memref<2000x8xf32, #tpu.memory_space<vmem>>)
      "tpu.region"() ({
        %run_scoped3A_26 = tpu.sem_alloc : memref<!tpu.dma_semaphore, #tpu.memory_space<semaphore_mem>>
        %dma_start3A_27 = arith.constant 0 : i32
        %dma_start3A_28 = arith.constant 0 : i32
        %dma_start3A_29 = tpu.memref_slice %arg13[%dma_start3A_27, %dma_start3A_28] : memref<204800x8xf32, #tpu.memory_space<vmem_shared>> -> memref<204800x8xf32, #tpu.memory_space<vmem_shared>>
        tpu.enqueue_indirect_dma source(%arg12 : memref<2000x8xf32, #tpu.memory_space<vmem>>) target(%dma_start3A_29 : memref<204800x8xf32, #tpu.memory_space<vmem_shared>>) offsets(%arg11 : memref<2000xi32, #tpu.memory_space<vmem>>) semaphore(%run_scoped3A_26 : memref<!tpu.dma_semaphore, #tpu.memory_space<semaphore_mem>>) {add = true}
        %dma_wait3A_30 = arith.constant 0 : i32
        %dma_wait3A_31 = arith.constant 0 : i32
        %dma_wait3A_32 = tpu.memref_slice %arg13[%dma_wait3A_30, %dma_wait3A_31] : memref<204800x8xf32, #tpu.memory_space<vmem_shared>> -> memref<204800x8xf32, #tpu.memory_space<vmem_shared>>
        tpu.wait_indirect_dma semaphore(%run_scoped3A_26 : memref<!tpu.dma_semaphore, #tpu.memory_space<semaphore_mem>>) src(%arg12 : memref<2000x8xf32, #tpu.memory_space<vmem>>) dst(%dma_wait3A_32 : memref<204800x8xf32, #tpu.memory_space<vmem_shared>>)
        tpu.yield
      }) : () -> ()
    }
    %scan3A_8 = arith.constant 25 : i32
    %barrier3A_9 = arith.constant 0 : index
    tpu.barrier barrier_id(%barrier3A_9)
    "tpu.region"() ({
      %run_scoped3A = tpu.sem_alloc : memref<!tpu.dma_semaphore, #tpu.memory_space<semaphore_mem>>
      %dma_start3A = arith.constant 0 : i32
      %dma_start3A_10 = arith.constant 0 : i32
      %dma_start3A_11 = tpu.memref_slice %arg6[%arg0, %dma_start3A, %dma_start3A_10] : memref<2x204800x8xf32, #tpu.memory_space<hbm>> -> memref<1x204800x8xf32, #tpu.memory_space<hbm>>
      %dma_start3A_12 = tpu.memref_squeeze %dma_start3A_11 : memref<1x204800x8xf32, #tpu.memory_space<hbm>> -> memref<204800x8xf32, #tpu.memory_space<hbm>>
      %dma_start3A_13 = arith.constant 0 : i32
      %dma_start3A_14 = tpu.memref_slice %dma_start3A_12[%mul3A_2, %dma_start3A_13] : memref<204800x8xf32, #tpu.memory_space<hbm>> -> memref<12800x8xf32, #tpu.memory_space<hbm>>
      %dma_start3A_15 = arith.constant 0 : i32
      %dma_start3A_16 = tpu.memref_slice %arg13[%mul3A_2, %dma_start3A_15] : memref<204800x8xf32, #tpu.memory_space<vmem_shared>> -> memref<12800x8xf32, #tpu.memory_space<vmem_shared>>
      tpu.enqueue_dma source(%dma_start3A_16 : memref<12800x8xf32, #tpu.memory_space<vmem_shared>>) target(%dma_start3A_14 : memref<12800x8xf32, #tpu.memory_space<hbm>>) target_semaphore(%run_scoped3A : memref<!tpu.dma_semaphore, #tpu.memory_space<semaphore_mem>>)
      %dma_wait3A = arith.constant 0 : i32
      %dma_wait3A_17 = arith.constant 0 : i32
      %dma_wait3A_18 = tpu.memref_slice %arg6[%arg0, %dma_wait3A, %dma_wait3A_17] : memref<2x204800x8xf32, #tpu.memory_space<hbm>> -> memref<1x204800x8xf32, #tpu.memory_space<hbm>>
      %dma_wait3A_19 = tpu.memref_squeeze %dma_wait3A_18 : memref<1x204800x8xf32, #tpu.memory_space<hbm>> -> memref<204800x8xf32, #tpu.memory_space<hbm>>
      %dma_wait3A_20 = arith.constant 0 : i32
      %dma_wait3A_21 = tpu.memref_slice %dma_wait3A_19[%mul3A_2, %dma_wait3A_20] : memref<204800x8xf32, #tpu.memory_space<hbm>> -> memref<12800x8xf32, #tpu.memory_space<hbm>>
      %dma_wait3A_22 = arith.constant 0 : i32
      %dma_wait3A_23 = tpu.memref_slice %arg13[%mul3A_2, %dma_wait3A_22] : memref<204800x8xf32, #tpu.memory_space<vmem_shared>> -> memref<12800x8xf32, #tpu.memory_space<vmem_shared>>
      tpu.wait_dma2 semaphore(%run_scoped3A : memref<!tpu.dma_semaphore, #tpu.memory_space<semaphore_mem>>) src(%dma_wait3A_23 : memref<12800x8xf32, #tpu.memory_space<vmem_shared>>) dst(%dma_wait3A_21 : memref<12800x8xf32, #tpu.memory_space<hbm>>)
      tpu.yield
    }) : () -> ()
    return
  }
}

module attributes {stable_mosaic.version = 14 : i64} {
  func.func @_project_body(%arg0: i32, %arg1: memref<2048x32xf32, #tpu.memory_space<vmem>>, %arg2: memref<32x6xf32, #tpu.memory_space<vmem>>, %arg3: memref<2x128x128xf32, #tpu.memory_space<vmem>>, %arg4: memref<2x128x128xf32, #tpu.memory_space<vmem>>) attributes {dimension_semantics = [#tpu.dimension_semantics<arbitrary>], iteration_bounds = array<i64: 50>, scalar_prefetch = 0 : i64, scratch_operands = 0 : i64, tpu.core_type = #tpu.core_type<tc>, window_params = [{transform_indices = @transform_0, window_bounds = array<i64: 2048, 32>}, {pipeline_mode = #tpu.pipeline_mode<synchronous>, transform_indices = @transform_1, window_bounds = array<i64: 32, 6>}, {transform_indices = @transform_2, window_bounds = array<i64: 2, 128, 128>}, {transform_indices = @transform_3, window_bounds = array<i64: 2, 128, 128>}]} {
    %get3A = arith.constant 0 : index
    %get3A_0 = arith.constant 0 : index
    %get3A_1 = vector.load %arg1[%get3A, %get3A_0] : memref<2048x32xf32, #tpu.memory_space<vmem>>, vector<2048x32xf32>
    %get3A_2 = arith.constant 0 : index
    %get3A_3 = arith.constant 0 : index
    %get3A_4 = vector.load %arg2[%get3A_2, %get3A_3] : memref<32x6xf32, #tpu.memory_space<vmem>>, vector<32x6xf32>
    %dot_general3A = arith.constant dense<0.000000e+00> : vector<2048x6xf32>
    %dot_general3A_5 = tpu.matmul %get3A_1, %get3A_4, %dot_general3A {dimension_numbers = #tpu.dot_dimension_numbers<[1], [0], [0], [1], [0, 0, 1, 1], [], []>, transpose_lhs_hint = false} : vector<2048x32xf32>, vector<32x6xf32>, vector<2048x6xf32> -> vector<2048x6xf32>
    %broadcast_in_dim3A = arith.constant 1.000000e+00 : f32
    %broadcast_in_dim3A_6 = vector.broadcast %broadcast_in_dim3A : f32 to vector<2048x1xf32>
    %broadcast_in_dim3A_7 = arith.constant 0.000000e+00 : f32
    %broadcast_in_dim3A_8 = vector.broadcast %broadcast_in_dim3A_7 : f32 to vector<2048x5xf32>
    %broadcast_in_dim3A_9 = arith.constant 0.000000e+00 : f32
    %broadcast_in_dim3A_10 = vector.broadcast %broadcast_in_dim3A_9 : f32 to vector<2048x3xf32>
    %broadcast_in_dim3A_11 = arith.constant 0.000000e+00 : f32
    %broadcast_in_dim3A_12 = vector.broadcast %broadcast_in_dim3A_11 : f32 to vector<2048x3xf32>
    %slice3A = vector.extract_strided_slice %dot_general3A_5 {offsets = [0, 0], sizes = [2048, 2], strides = [1, 1]} : vector<2048x6xf32> to vector<2048x2xf32>
    %concatenate3A = tpu.concatenate %slice3A, %broadcast_in_dim3A_6, %broadcast_in_dim3A_8 in 1 : vector<2048x2xf32>, vector<2048x1xf32>, vector<2048x5xf32> -> vector<2048x8xf32>
    %slice3A_13 = vector.extract_strided_slice %dot_general3A_5 {offsets = [0, 2], sizes = [2048, 2], strides = [1, 1]} : vector<2048x6xf32> to vector<2048x2xf32>
    %concatenate3A_14 = tpu.concatenate %slice3A_13, %broadcast_in_dim3A_6, %broadcast_in_dim3A_8 in 1 : vector<2048x2xf32>, vector<2048x1xf32>, vector<2048x5xf32> -> vector<2048x8xf32>
    %slice3A_15 = vector.extract_strided_slice %dot_general3A_5 {offsets = [0, 4], sizes = [2048, 2], strides = [1, 1]} : vector<2048x6xf32> to vector<2048x2xf32>
    %mul3A = arith.constant 5.000000e-01 : f32
    %mul3A_16 = vector.broadcast %mul3A : f32 to vector<2048x2xf32>
    %mul3A_17 = arith.mulf %mul3A_16, %slice3A_15 : vector<2048x2xf32>
    %concatenate3A_18 = tpu.concatenate %broadcast_in_dim3A_10, %mul3A_17, %broadcast_in_dim3A_12 in 1 : vector<2048x3xf32>, vector<2048x2xf32>, vector<2048x3xf32> -> vector<2048x8xf32>
    %reshape3A = vector.shape_cast %concatenate3A : vector<2048x8xf32> to vector<128x16x8xf32>
    %reshape3A_19 = vector.shape_cast %concatenate3A_14 : vector<2048x8xf32> to vector<128x16x8xf32>
    %reshape3A_20 = vector.shape_cast %concatenate3A_18 : vector<2048x8xf32> to vector<128x16x8xf32>
    %slice3A_21 = vector.extract_strided_slice %reshape3A {offsets = [0, 0, 0], sizes = [128, 1, 8], strides = [1, 1, 1]} : vector<128x16x8xf32> to vector<128x1x8xf32>
    %squeeze3A = vector.shape_cast %slice3A_21 : vector<128x1x8xf32> to vector<128x8xf32>
    %swap3A = arith.constant 0 : index
    %swap3A_22 = arith.constant 0 : index
    %swap3A_23 = arith.constant 0 : index
    %swap3A_24 = vector.load %arg3[%swap3A, %swap3A_22, %swap3A_23] : memref<2x128x128xf32, #tpu.memory_space<vmem>>, vector<1x128x8xf32>
    %swap3A_25 = vector.shape_cast %swap3A_24 : vector<1x128x8xf32> to vector<128x8xf32>
    %swap3A_26 = vector.shape_cast %squeeze3A : vector<128x8xf32> to vector<1x128x8xf32>
    tpu.vector_store %arg3[%swap3A, %swap3A_22, %swap3A_23], %swap3A_26 {strides = array<i32>} : memref<2x128x128xf32, #tpu.memory_space<vmem>>, vector<1x128x8xf32>,
    %slice3A_27 = vector.extract_strided_slice %reshape3A_19 {offsets = [0, 0, 0], sizes = [128, 1, 8], strides = [1, 1, 1]} : vector<128x16x8xf32> to vector<128x1x8xf32>
    %squeeze3A_28 = vector.shape_cast %slice3A_27 : vector<128x1x8xf32> to vector<128x8xf32>
    %swap3A_29 = arith.constant 1 : index
    %swap3A_30 = arith.constant 0 : index
    %swap3A_31 = arith.constant 0 : index
    %swap3A_32 = vector.load %arg3[%swap3A_29, %swap3A_30, %swap3A_31] : memref<2x128x128xf32, #tpu.memory_space<vmem>>, vector<1x128x8xf32>
    %swap3A_33 = vector.shape_cast %swap3A_32 : vector<1x128x8xf32> to vector<128x8xf32>
    %swap3A_34 = vector.shape_cast %squeeze3A_28 : vector<128x8xf32> to vector<1x128x8xf32>
    tpu.vector_store %arg3[%swap3A_29, %swap3A_30, %swap3A_31], %swap3A_34 {strides = array<i32>} : memref<2x128x128xf32, #tpu.memory_space<vmem>>, vector<1x128x8xf32>,
    %slice3A_35 = vector.extract_strided_slice %reshape3A_20 {offsets = [0, 0, 0], sizes = [128, 1, 8], strides = [1, 1, 1]} : vector<128x16x8xf32> to vector<128x1x8xf32>
    %squeeze3A_36 = vector.shape_cast %slice3A_35 : vector<128x1x8xf32> to vector<128x8xf32>
    %swap3A_37 = arith.constant 0 : index
    %swap3A_38 = arith.constant 0 : index
    %swap3A_39 = arith.constant 0 : index
    %swap3A_40 = vector.load %arg4[%swap3A_37, %swap3A_38, %swap3A_39] : memref<2x128x128xf32, #tpu.memory_space<vmem>>, vector<1x128x8xf32>
    %swap3A_41 = vector.shape_cast %swap3A_40 : vector<1x128x8xf32> to vector<128x8xf32>
    %swap3A_42 = vector.shape_cast %squeeze3A_36 : vector<128x8xf32> to vector<1x128x8xf32>
    tpu.vector_store %arg4[%swap3A_37, %swap3A_38, %swap3A_39], %swap3A_42 {strides = array<i32>} : memref<2x128x128xf32, #tpu.memory_space<vmem>>, vector<1x128x8xf32>,
    %slice3A_43 = vector.extract_strided_slice %reshape3A {offsets = [0, 1, 0], sizes = [128, 1, 8], strides = [1, 1, 1]} : vector<128x16x8xf32> to vector<128x1x8xf32>
    %squeeze3A_44 = vector.shape_cast %slice3A_43 : vector<128x1x8xf32> to vector<128x8xf32>
    %swap3A_45 = arith.constant 0 : index
    %swap3A_46 = arith.constant 0 : index
    %swap3A_47 = arith.constant 8 : index
    %swap3A_48 = vector.load %arg3[%swap3A_45, %swap3A_46, %swap3A_47] : memref<2x128x128xf32, #tpu.memory_space<vmem>>, vector<1x128x8xf32>
    %swap3A_49 = vector.shape_cast %swap3A_48 : vector<1x128x8xf32> to vector<128x8xf32>
    %swap3A_50 = vector.shape_cast %squeeze3A_44 : vector<128x8xf32> to vector<1x128x8xf32>
    tpu.vector_store %arg3[%swap3A_45, %swap3A_46, %swap3A_47], %swap3A_50 {strides = array<i32>} : memref<2x128x128xf32, #tpu.memory_space<vmem>>, vector<1x128x8xf32>,
    %slice3A_51 = vector.extract_strided_slice %reshape3A_19 {offsets = [0, 1, 0], sizes = [128, 1, 8], strides = [1, 1, 1]} : vector<128x16x8xf32> to vector<128x1x8xf32>
    %squeeze3A_52 = vector.shape_cast %slice3A_51 : vector<128x1x8xf32> to vector<128x8xf32>
    %swap3A_53 = arith.constant 1 : index
    %swap3A_54 = arith.constant 0 : index
    %swap3A_55 = arith.constant 8 : index
    %swap3A_56 = vector.load %arg3[%swap3A_53, %swap3A_54, %swap3A_55] : memref<2x128x128xf32, #tpu.memory_space<vmem>>, vector<1x128x8xf32>
    %swap3A_57 = vector.shape_cast %swap3A_56 : vector<1x128x8xf32> to vector<128x8xf32>
    %swap3A_58 = vector.shape_cast %squeeze3A_52 : vector<128x8xf32> to vector<1x128x8xf32>
    tpu.vector_store %arg3[%swap3A_53, %swap3A_54, %swap3A_55], %swap3A_58 {strides = array<i32>} : memref<2x128x128xf32, #tpu.memory_space<vmem>>, vector<1x128x8xf32>,
    %slice3A_59 = vector.extract_strided_slice %reshape3A_20 {offsets = [0, 1, 0], sizes = [128, 1, 8], strides = [1, 1, 1]} : vector<128x16x8xf32> to vector<128x1x8xf32>
    %squeeze3A_60 = vector.shape_cast %slice3A_59 : vector<128x1x8xf32> to vector<128x8xf32>
    %swap3A_61 = arith.constant 0 : index
    %swap3A_62 = arith.constant 0 : index
    %swap3A_63 = arith.constant 8 : index
    %swap3A_64 = vector.load %arg4[%swap3A_61, %swap3A_62, %swap3A_63] : memref<2x128x128xf32, #tpu.memory_space<vmem>>, vector<1x128x8xf32>
    %swap3A_65 = vector.shape_cast %swap3A_64 : vector<1x128x8xf32> to vector<128x8xf32>
    %swap3A_66 = vector.shape_cast %squeeze3A_60 : vector<128x8xf32> to vector<1x128x8xf32>
    tpu.vector_store %arg4[%swap3A_61, %swap3A_62, %swap3A_63], %swap3A_66 {strides = array<i32>} : memref<2x128x128xf32, #tpu.memory_space<vmem>>, vector<1x128x8xf32>,
    %slice3A_67 = vector.extract_strided_slice %reshape3A {offsets = [0, 2, 0], sizes = [128, 1, 8], strides = [1, 1, 1]} : vector<128x16x8xf32> to vector<128x1x8xf32>
    %squeeze3A_68 = vector.shape_cast %slice3A_67 : vector<128x1x8xf32> to vector<128x8xf32>
    %swap3A_69 = arith.constant 0 : index
    %swap3A_70 = arith.constant 0 : index
    %swap3A_71 = arith.constant 16 : index
    %swap3A_72 = vector.load %arg3[%swap3A_69, %swap3A_70, %swap3A_71] : memref<2x128x128xf32, #tpu.memory_space<vmem>>, vector<1x128x8xf32>
    %swap3A_73 = vector.shape_cast %swap3A_72 : vector<1x128x8xf32> to vector<128x8xf32>
    %swap3A_74 = vector.shape_cast %squeeze3A_68 : vector<128x8xf32> to vector<1x128x8xf32>
    tpu.vector_store %arg3[%swap3A_69, %swap3A_70, %swap3A_71], %swap3A_74 {strides = array<i32>} : memref<2x128x128xf32, #tpu.memory_space<vmem>>, vector<1x128x8xf32>,
    %slice3A_75 = vector.extract_strided_slice %reshape3A_19 {offsets = [0, 2, 0], sizes = [128, 1, 8], strides = [1, 1, 1]} : vector<128x16x8xf32> to vector<128x1x8xf32>
    %squeeze3A_76 = vector.shape_cast %slice3A_75 : vector<128x1x8xf32> to vector<128x8xf32>
    %swap3A_77 = arith.constant 1 : index
    %swap3A_78 = arith.constant 0 : index
    %swap3A_79 = arith.constant 16 : index
    %swap3A_80 = vector.load %arg3[%swap3A_77, %swap3A_78, %swap3A_79] : memref<2x128x128xf32, #tpu.memory_space<vmem>>, vector<1x128x8xf32>
    %swap3A_81 = vector.shape_cast %swap3A_80 : vector<1x128x8xf32> to vector<128x8xf32>
    %swap3A_82 = vector.shape_cast %squeeze3A_76 : vector<128x8xf32> to vector<1x128x8xf32>
    tpu.vector_store %arg3[%swap3A_77, %swap3A_78, %swap3A_79], %swap3A_82 {strides = array<i32>} : memref<2x128x128xf32, #tpu.memory_space<vmem>>, vector<1x128x8xf32>,
    %slice3A_83 = vector.extract_strided_slice %reshape3A_20 {offsets = [0, 2, 0], sizes = [128, 1, 8], strides = [1, 1, 1]} : vector<128x16x8xf32> to vector<128x1x8xf32>
    %squeeze3A_84 = vector.shape_cast %slice3A_83 : vector<128x1x8xf32> to vector<128x8xf32>
    %swap3A_85 = arith.constant 0 : index
    %swap3A_86 = arith.constant 0 : index
    %swap3A_87 = arith.constant 16 : index
    %swap3A_88 = vector.load %arg4[%swap3A_85, %swap3A_86, %swap3A_87] : memref<2x128x128xf32, #tpu.memory_space<vmem>>, vector<1x128x8xf32>
    %swap3A_89 = vector.shape_cast %swap3A_88 : vector<1x128x8xf32> to vector<128x8xf32>
    %swap3A_90 = vector.shape_cast %squeeze3A_84 : vector<128x8xf32> to vector<1x128x8xf32>
    tpu.vector_store %arg4[%swap3A_85, %swap3A_86, %swap3A_87], %swap3A_90 {strides = array<i32>} : memref<2x128x128xf32, #tpu.memory_space<vmem>>, vector<1x128x8xf32>,
    %slice3A_91 = vector.extract_strided_slice %reshape3A {offsets = [0, 3, 0], sizes = [128, 1, 8], strides = [1, 1, 1]} : vector<128x16x8xf32> to vector<128x1x8xf32>
    %squeeze3A_92 = vector.shape_cast %slice3A_91 : vector<128x1x8xf32> to vector<128x8xf32>
    %swap3A_93 = arith.constant 0 : index
    %swap3A_94 = arith.constant 0 : index
    %swap3A_95 = arith.constant 24 : index
    %swap3A_96 = vector.load %arg3[%swap3A_93, %swap3A_94, %swap3A_95] : memref<2x128x128xf32, #tpu.memory_space<vmem>>, vector<1x128x8xf32>
    %swap3A_97 = vector.shape_cast %swap3A_96 : vector<1x128x8xf32> to vector<128x8xf32>
    %swap3A_98 = vector.shape_cast %squeeze3A_92 : vector<128x8xf32> to vector<1x128x8xf32>
    tpu.vector_store %arg3[%swap3A_93, %swap3A_94, %swap3A_95], %swap3A_98 {strides = array<i32>} : memref<2x128x128xf32, #tpu.memory_space<vmem>>, vector<1x128x8xf32>,
    %slice3A_99 = vector.extract_strided_slice %reshape3A_19 {offsets = [0, 3, 0], sizes = [128, 1, 8], strides = [1, 1, 1]} : vector<128x16x8xf32> to vector<128x1x8xf32>
    %squeeze3A_100 = vector.shape_cast %slice3A_99 : vector<128x1x8xf32> to vector<128x8xf32>
    %swap3A_101 = arith.constant 1 : index
    %swap3A_102 = arith.constant 0 : index
    %swap3A_103 = arith.constant 24 : index
    %swap3A_104 = vector.load %arg3[%swap3A_101, %swap3A_102, %swap3A_103] : memref<2x128x128xf32, #tpu.memory_space<vmem>>, vector<1x128x8xf32>
    %swap3A_105 = vector.shape_cast %swap3A_104 : vector<1x128x8xf32> to vector<128x8xf32>
    %swap3A_106 = vector.shape_cast %squeeze3A_100 : vector<128x8xf32> to vector<1x128x8xf32>
    tpu.vector_store %arg3[%swap3A_101, %swap3A_102, %swap3A_103], %swap3A_106 {strides = array<i32>} : memref<2x128x128xf32, #tpu.memory_space<vmem>>, vector<1x128x8xf32>,
    %slice3A_107 = vector.extract_strided_slice %reshape3A_20 {offsets = [0, 3, 0], sizes = [128, 1, 8], strides = [1, 1, 1]} : vector<128x16x8xf32> to vector<128x1x8xf32>
    %squeeze3A_108 = vector.shape_cast %slice3A_107 : vector<128x1x8xf32> to vector<128x8xf32>
    %swap3A_109 = arith.constant 0 : index
    %swap3A_110 = arith.constant 0 : index
    %swap3A_111 = arith.constant 24 : index
    %swap3A_112 = vector.load %arg4[%swap3A_109, %swap3A_110, %swap3A_111] : memref<2x128x128xf32, #tpu.memory_space<vmem>>, vector<1x128x8xf32>
    %swap3A_113 = vector.shape_cast %swap3A_112 : vector<1x128x8xf32> to vector<128x8xf32>
    %swap3A_114 = vector.shape_cast %squeeze3A_108 : vector<128x8xf32> to vector<1x128x8xf32>
    tpu.vector_store %arg4[%swap3A_109, %swap3A_110, %swap3A_111], %swap3A_114 {strides = array<i32>} : memref<2x128x128xf32, #tpu.memory_space<vmem>>, vector<1x128x8xf32>,
    %slice3A_115 = vector.extract_strided_slice %reshape3A {offsets = [0, 4, 0], sizes = [128, 1, 8], strides = [1, 1, 1]} : vector<128x16x8xf32> to vector<128x1x8xf32>
    %squeeze3A_116 = vector.shape_cast %slice3A_115 : vector<128x1x8xf32> to vector<128x8xf32>
    %swap3A_117 = arith.constant 0 : index
    %swap3A_118 = arith.constant 0 : index
    %swap3A_119 = arith.constant 32 : index
    %swap3A_120 = vector.load %arg3[%swap3A_117, %swap3A_118, %swap3A_119] : memref<2x128x128xf32, #tpu.memory_space<vmem>>, vector<1x128x8xf32>
    %swap3A_121 = vector.shape_cast %swap3A_120 : vector<1x128x8xf32> to vector<128x8xf32>
    %swap3A_122 = vector.shape_cast %squeeze3A_116 : vector<128x8xf32> to vector<1x128x8xf32>
    tpu.vector_store %arg3[%swap3A_117, %swap3A_118, %swap3A_119], %swap3A_122 {strides = array<i32>} : memref<2x128x128xf32, #tpu.memory_space<vmem>>, vector<1x128x8xf32>,
    %slice3A_123 = vector.extract_strided_slice %reshape3A_19 {offsets = [0, 4, 0], sizes = [128, 1, 8], strides = [1, 1, 1]} : vector<128x16x8xf32> to vector<128x1x8xf32>
    %squeeze3A_124 = vector.shape_cast %slice3A_123 : vector<128x1x8xf32> to vector<128x8xf32>
    %swap3A_125 = arith.constant 1 : index
    %swap3A_126 = arith.constant 0 : index
    %swap3A_127 = arith.constant 32 : index
    %swap3A_128 = vector.load %arg3[%swap3A_125, %swap3A_126, %swap3A_127] : memref<2x128x128xf32, #tpu.memory_space<vmem>>, vector<1x128x8xf32>
    %swap3A_129 = vector.shape_cast %swap3A_128 : vector<1x128x8xf32> to vector<128x8xf32>
    %swap3A_130 = vector.shape_cast %squeeze3A_124 : vector<128x8xf32> to vector<1x128x8xf32>
    tpu.vector_store %arg3[%swap3A_125, %swap3A_126, %swap3A_127], %swap3A_130 {strides = array<i32>} : memref<2x128x128xf32, #tpu.memory_space<vmem>>, vector<1x128x8xf32>,
    %slice3A_131 = vector.extract_strided_slice %reshape3A_20 {offsets = [0, 4, 0], sizes = [128, 1, 8], strides = [1, 1, 1]} : vector<128x16x8xf32> to vector<128x1x8xf32>
    %squeeze3A_132 = vector.shape_cast %slice3A_131 : vector<128x1x8xf32> to vector<128x8xf32>
    %swap3A_133 = arith.constant 0 : index
    %swap3A_134 = arith.constant 0 : index
    %swap3A_135 = arith.constant 32 : index
    %swap3A_136 = vector.load %arg4[%swap3A_133, %swap3A_134, %swap3A_135] : memref<2x128x128xf32, #tpu.memory_space<vmem>>, vector<1x128x8xf32>
    %swap3A_137 = vector.shape_cast %swap3A_136 : vector<1x128x8xf32> to vector<128x8xf32>
    %swap3A_138 = vector.shape_cast %squeeze3A_132 : vector<128x8xf32> to vector<1x128x8xf32>
    tpu.vector_store %arg4[%swap3A_133, %swap3A_134, %swap3A_135], %swap3A_138 {strides = array<i32>} : memref<2x128x128xf32, #tpu.memory_space<vmem>>, vector<1x128x8xf32>,
    %slice3A_139 = vector.extract_strided_slice %reshape3A {offsets = [0, 5, 0], sizes = [128, 1, 8], strides = [1, 1, 1]} : vector<128x16x8xf32> to vector<128x1x8xf32>
    %squeeze3A_140 = vector.shape_cast %slice3A_139 : vector<128x1x8xf32> to vector<128x8xf32>
    %swap3A_141 = arith.constant 0 : index
    %swap3A_142 = arith.constant 0 : index
    %swap3A_143 = arith.constant 40 : index
    %swap3A_144 = vector.load %arg3[%swap3A_141, %swap3A_142, %swap3A_143] : memref<2x128x128xf32, #tpu.memory_space<vmem>>, vector<1x128x8xf32>
    %swap3A_145 = vector.shape_cast %swap3A_144 : vector<1x128x8xf32> to vector<128x8xf32>
    %swap3A_146 = vector.shape_cast %squeeze3A_140 : vector<128x8xf32> to vector<1x128x8xf32>
    tpu.vector_store %arg3[%swap3A_141, %swap3A_142, %swap3A_143], %swap3A_146 {strides = array<i32>} : memref<2x128x128xf32, #tpu.memory_space<vmem>>, vector<1x128x8xf32>,
    %slice3A_147 = vector.extract_strided_slice %reshape3A_19 {offsets = [0, 5, 0], sizes = [128, 1, 8], strides = [1, 1, 1]} : vector<128x16x8xf32> to vector<128x1x8xf32>
    %squeeze3A_148 = vector.shape_cast %slice3A_147 : vector<128x1x8xf32> to vector<128x8xf32>
    %swap3A_149 = arith.constant 1 : index
    %swap3A_150 = arith.constant 0 : index
    %swap3A_151 = arith.constant 40 : index
    %swap3A_152 = vector.load %arg3[%swap3A_149, %swap3A_150, %swap3A_151] : memref<2x128x128xf32, #tpu.memory_space<vmem>>, vector<1x128x8xf32>
    %swap3A_153 = vector.shape_cast %swap3A_152 : vector<1x128x8xf32> to vector<128x8xf32>
    %swap3A_154 = vector.shape_cast %squeeze3A_148 : vector<128x8xf32> to vector<1x128x8xf32>
    tpu.vector_store %arg3[%swap3A_149, %swap3A_150, %swap3A_151], %swap3A_154 {strides = array<i32>} : memref<2x128x128xf32, #tpu.memory_space<vmem>>, vector<1x128x8xf32>,
    %slice3A_155 = vector.extract_strided_slice %reshape3A_20 {offsets = [0, 5, 0], sizes = [128, 1, 8], strides = [1, 1, 1]} : vector<128x16x8xf32> to vector<128x1x8xf32>
    %squeeze3A_156 = vector.shape_cast %slice3A_155 : vector<128x1x8xf32> to vector<128x8xf32>
    %swap3A_157 = arith.constant 0 : index
    %swap3A_158 = arith.constant 0 : index
    %swap3A_159 = arith.constant 40 : index
    %swap3A_160 = vector.load %arg4[%swap3A_157, %swap3A_158, %swap3A_159] : memref<2x128x128xf32, #tpu.memory_space<vmem>>, vector<1x128x8xf32>
    %swap3A_161 = vector.shape_cast %swap3A_160 : vector<1x128x8xf32> to vector<128x8xf32>
    %swap3A_162 = vector.shape_cast %squeeze3A_156 : vector<128x8xf32> to vector<1x128x8xf32>
    tpu.vector_store %arg4[%swap3A_157, %swap3A_158, %swap3A_159], %swap3A_162 {strides = array<i32>} : memref<2x128x128xf32, #tpu.memory_space<vmem>>, vector<1x128x8xf32>,
    %slice3A_163 = vector.extract_strided_slice %reshape3A {offsets = [0, 6, 0], sizes = [128, 1, 8], strides = [1, 1, 1]} : vector<128x16x8xf32> to vector<128x1x8xf32>
    %squeeze3A_164 = vector.shape_cast %slice3A_163 : vector<128x1x8xf32> to vector<128x8xf32>
    %swap3A_165 = arith.constant 0 : index
    %swap3A_166 = arith.constant 0 : index
    %swap3A_167 = arith.constant 48 : index
    %swap3A_168 = vector.load %arg3[%swap3A_165, %swap3A_166, %swap3A_167] : memref<2x128x128xf32, #tpu.memory_space<vmem>>, vector<1x128x8xf32>
    %swap3A_169 = vector.shape_cast %swap3A_168 : vector<1x128x8xf32> to vector<128x8xf32>
    %swap3A_170 = vector.shape_cast %squeeze3A_164 : vector<128x8xf32> to vector<1x128x8xf32>
    tpu.vector_store %arg3[%swap3A_165, %swap3A_166, %swap3A_167], %swap3A_170 {strides = array<i32>} : memref<2x128x128xf32, #tpu.memory_space<vmem>>, vector<1x128x8xf32>,
    %slice3A_171 = vector.extract_strided_slice %reshape3A_19 {offsets = [0, 6, 0], sizes = [128, 1, 8], strides = [1, 1, 1]} : vector<128x16x8xf32> to vector<128x1x8xf32>
    %squeeze3A_172 = vector.shape_cast %slice3A_171 : vector<128x1x8xf32> to vector<128x8xf32>
    %swap3A_173 = arith.constant 1 : index
    %swap3A_174 = arith.constant 0 : index
    %swap3A_175 = arith.constant 48 : index
    %swap3A_176 = vector.load %arg3[%swap3A_173, %swap3A_174, %swap3A_175] : memref<2x128x128xf32, #tpu.memory_space<vmem>>, vector<1x128x8xf32>
    %swap3A_177 = vector.shape_cast %swap3A_176 : vector<1x128x8xf32> to vector<128x8xf32>
    %swap3A_178 = vector.shape_cast %squeeze3A_172 : vector<128x8xf32> to vector<1x128x8xf32>
    tpu.vector_store %arg3[%swap3A_173, %swap3A_174, %swap3A_175], %swap3A_178 {strides = array<i32>} : memref<2x128x128xf32, #tpu.memory_space<vmem>>, vector<1x128x8xf32>,
    %slice3A_179 = vector.extract_strided_slice %reshape3A_20 {offsets = [0, 6, 0], sizes = [128, 1, 8], strides = [1, 1, 1]} : vector<128x16x8xf32> to vector<128x1x8xf32>
    %squeeze3A_180 = vector.shape_cast %slice3A_179 : vector<128x1x8xf32> to vector<128x8xf32>
    %swap3A_181 = arith.constant 0 : index
    %swap3A_182 = arith.constant 0 : index
    %swap3A_183 = arith.constant 48 : index
    %swap3A_184 = vector.load %arg4[%swap3A_181, %swap3A_182, %swap3A_183] : memref<2x128x128xf32, #tpu.memory_space<vmem>>, vector<1x128x8xf32>
    %swap3A_185 = vector.shape_cast %swap3A_184 : vector<1x128x8xf32> to vector<128x8xf32>
    %swap3A_186 = vector.shape_cast %squeeze3A_180 : vector<128x8xf32> to vector<1x128x8xf32>
    tpu.vector_store %arg4[%swap3A_181, %swap3A_182, %swap3A_183], %swap3A_186 {strides = array<i32>} : memref<2x128x128xf32, #tpu.memory_space<vmem>>, vector<1x128x8xf32>,
    %slice3A_187 = vector.extract_strided_slice %reshape3A {offsets = [0, 7, 0], sizes = [128, 1, 8], strides = [1, 1, 1]} : vector<128x16x8xf32> to vector<128x1x8xf32>
    %squeeze3A_188 = vector.shape_cast %slice3A_187 : vector<128x1x8xf32> to vector<128x8xf32>
    %swap3A_189 = arith.constant 0 : index
    %swap3A_190 = arith.constant 0 : index
    %swap3A_191 = arith.constant 56 : index
    %swap3A_192 = vector.load %arg3[%swap3A_189, %swap3A_190, %swap3A_191] : memref<2x128x128xf32, #tpu.memory_space<vmem>>, vector<1x128x8xf32>
    %swap3A_193 = vector.shape_cast %swap3A_192 : vector<1x128x8xf32> to vector<128x8xf32>
    %swap3A_194 = vector.shape_cast %squeeze3A_188 : vector<128x8xf32> to vector<1x128x8xf32>
    tpu.vector_store %arg3[%swap3A_189, %swap3A_190, %swap3A_191], %swap3A_194 {strides = array<i32>} : memref<2x128x128xf32, #tpu.memory_space<vmem>>, vector<1x128x8xf32>,
    %slice3A_195 = vector.extract_strided_slice %reshape3A_19 {offsets = [0, 7, 0], sizes = [128, 1, 8], strides = [1, 1, 1]} : vector<128x16x8xf32> to vector<128x1x8xf32>
    %squeeze3A_196 = vector.shape_cast %slice3A_195 : vector<128x1x8xf32> to vector<128x8xf32>
    %swap3A_197 = arith.constant 1 : index
    %swap3A_198 = arith.constant 0 : index
    %swap3A_199 = arith.constant 56 : index
    %swap3A_200 = vector.load %arg3[%swap3A_197, %swap3A_198, %swap3A_199] : memref<2x128x128xf32, #tpu.memory_space<vmem>>, vector<1x128x8xf32>
    %swap3A_201 = vector.shape_cast %swap3A_200 : vector<1x128x8xf32> to vector<128x8xf32>
    %swap3A_202 = vector.shape_cast %squeeze3A_196 : vector<128x8xf32> to vector<1x128x8xf32>
    tpu.vector_store %arg3[%swap3A_197, %swap3A_198, %swap3A_199], %swap3A_202 {strides = array<i32>} : memref<2x128x128xf32, #tpu.memory_space<vmem>>, vector<1x128x8xf32>,
    %slice3A_203 = vector.extract_strided_slice %reshape3A_20 {offsets = [0, 7, 0], sizes = [128, 1, 8], strides = [1, 1, 1]} : vector<128x16x8xf32> to vector<128x1x8xf32>
    %squeeze3A_204 = vector.shape_cast %slice3A_203 : vector<128x1x8xf32> to vector<128x8xf32>
    %swap3A_205 = arith.constant 0 : index
    %swap3A_206 = arith.constant 0 : index
    %swap3A_207 = arith.constant 56 : index
    %swap3A_208 = vector.load %arg4[%swap3A_205, %swap3A_206, %swap3A_207] : memref<2x128x128xf32, #tpu.memory_space<vmem>>, vector<1x128x8xf32>
    %swap3A_209 = vector.shape_cast %swap3A_208 : vector<1x128x8xf32> to vector<128x8xf32>
    %swap3A_210 = vector.shape_cast %squeeze3A_204 : vector<128x8xf32> to vector<1x128x8xf32>
    tpu.vector_store %arg4[%swap3A_205, %swap3A_206, %swap3A_207], %swap3A_210 {strides = array<i32>} : memref<2x128x128xf32, #tpu.memory_space<vmem>>, vector<1x128x8xf32>,
    %slice3A_211 = vector.extract_strided_slice %reshape3A {offsets = [0, 8, 0], sizes = [128, 1, 8], strides = [1, 1, 1]} : vector<128x16x8xf32> to vector<128x1x8xf32>
    %squeeze3A_212 = vector.shape_cast %slice3A_211 : vector<128x1x8xf32> to vector<128x8xf32>
    %swap3A_213 = arith.constant 0 : index
    %swap3A_214 = arith.constant 0 : index
    %swap3A_215 = arith.constant 64 : index
    %swap3A_216 = vector.load %arg3[%swap3A_213, %swap3A_214, %swap3A_215] : memref<2x128x128xf32, #tpu.memory_space<vmem>>, vector<1x128x8xf32>
    %swap3A_217 = vector.shape_cast %swap3A_216 : vector<1x128x8xf32> to vector<128x8xf32>
    %swap3A_218 = vector.shape_cast %squeeze3A_212 : vector<128x8xf32> to vector<1x128x8xf32>
    tpu.vector_store %arg3[%swap3A_213, %swap3A_214, %swap3A_215], %swap3A_218 {strides = array<i32>} : memref<2x128x128xf32, #tpu.memory_space<vmem>>, vector<1x128x8xf32>,
    %slice3A_219 = vector.extract_strided_slice %reshape3A_19 {offsets = [0, 8, 0], sizes = [128, 1, 8], strides = [1, 1, 1]} : vector<128x16x8xf32> to vector<128x1x8xf32>
    %squeeze3A_220 = vector.shape_cast %slice3A_219 : vector<128x1x8xf32> to vector<128x8xf32>
    %swap3A_221 = arith.constant 1 : index
    %swap3A_222 = arith.constant 0 : index
    %swap3A_223 = arith.constant 64 : index
    %swap3A_224 = vector.load %arg3[%swap3A_221, %swap3A_222, %swap3A_223] : memref<2x128x128xf32, #tpu.memory_space<vmem>>, vector<1x128x8xf32>
    %swap3A_225 = vector.shape_cast %swap3A_224 : vector<1x128x8xf32> to vector<128x8xf32>
    %swap3A_226 = vector.shape_cast %squeeze3A_220 : vector<128x8xf32> to vector<1x128x8xf32>
    tpu.vector_store %arg3[%swap3A_221, %swap3A_222, %swap3A_223], %swap3A_226 {strides = array<i32>} : memref<2x128x128xf32, #tpu.memory_space<vmem>>, vector<1x128x8xf32>,
    %slice3A_227 = vector.extract_strided_slice %reshape3A_20 {offsets = [0, 8, 0], sizes = [128, 1, 8], strides = [1, 1, 1]} : vector<128x16x8xf32> to vector<128x1x8xf32>
    %squeeze3A_228 = vector.shape_cast %slice3A_227 : vector<128x1x8xf32> to vector<128x8xf32>
    %swap3A_229 = arith.constant 0 : index
    %swap3A_230 = arith.constant 0 : index
    %swap3A_231 = arith.constant 64 : index
    %swap3A_232 = vector.load %arg4[%swap3A_229, %swap3A_230, %swap3A_231] : memref<2x128x128xf32, #tpu.memory_space<vmem>>, vector<1x128x8xf32>
    %swap3A_233 = vector.shape_cast %swap3A_232 : vector<1x128x8xf32> to vector<128x8xf32>
    %swap3A_234 = vector.shape_cast %squeeze3A_228 : vector<128x8xf32> to vector<1x128x8xf32>
    tpu.vector_store %arg4[%swap3A_229, %swap3A_230, %swap3A_231], %swap3A_234 {strides = array<i32>} : memref<2x128x128xf32, #tpu.memory_space<vmem>>, vector<1x128x8xf32>,
    %slice3A_235 = vector.extract_strided_slice %reshape3A {offsets = [0, 9, 0], sizes = [128, 1, 8], strides = [1, 1, 1]} : vector<128x16x8xf32> to vector<128x1x8xf32>
    %squeeze3A_236 = vector.shape_cast %slice3A_235 : vector<128x1x8xf32> to vector<128x8xf32>
    %swap3A_237 = arith.constant 0 : index
    %swap3A_238 = arith.constant 0 : index
    %swap3A_239 = arith.constant 72 : index
    %swap3A_240 = vector.load %arg3[%swap3A_237, %swap3A_238, %swap3A_239] : memref<2x128x128xf32, #tpu.memory_space<vmem>>, vector<1x128x8xf32>
    %swap3A_241 = vector.shape_cast %swap3A_240 : vector<1x128x8xf32> to vector<128x8xf32>
    %swap3A_242 = vector.shape_cast %squeeze3A_236 : vector<128x8xf32> to vector<1x128x8xf32>
    tpu.vector_store %arg3[%swap3A_237, %swap3A_238, %swap3A_239], %swap3A_242 {strides = array<i32>} : memref<2x128x128xf32, #tpu.memory_space<vmem>>, vector<1x128x8xf32>,
    %slice3A_243 = vector.extract_strided_slice %reshape3A_19 {offsets = [0, 9, 0], sizes = [128, 1, 8], strides = [1, 1, 1]} : vector<128x16x8xf32> to vector<128x1x8xf32>
    %squeeze3A_244 = vector.shape_cast %slice3A_243 : vector<128x1x8xf32> to vector<128x8xf32>
    %swap3A_245 = arith.constant 1 : index
    %swap3A_246 = arith.constant 0 : index
    %swap3A_247 = arith.constant 72 : index
    %swap3A_248 = vector.load %arg3[%swap3A_245, %swap3A_246, %swap3A_247] : memref<2x128x128xf32, #tpu.memory_space<vmem>>, vector<1x128x8xf32>
    %swap3A_249 = vector.shape_cast %swap3A_248 : vector<1x128x8xf32> to vector<128x8xf32>
    %swap3A_250 = vector.shape_cast %squeeze3A_244 : vector<128x8xf32> to vector<1x128x8xf32>
    tpu.vector_store %arg3[%swap3A_245, %swap3A_246, %swap3A_247], %swap3A_250 {strides = array<i32>} : memref<2x128x128xf32, #tpu.memory_space<vmem>>, vector<1x128x8xf32>,
    %slice3A_251 = vector.extract_strided_slice %reshape3A_20 {offsets = [0, 9, 0], sizes = [128, 1, 8], strides = [1, 1, 1]} : vector<128x16x8xf32> to vector<128x1x8xf32>
    %squeeze3A_252 = vector.shape_cast %slice3A_251 : vector<128x1x8xf32> to vector<128x8xf32>
    %swap3A_253 = arith.constant 0 : index
    %swap3A_254 = arith.constant 0 : index
    %swap3A_255 = arith.constant 72 : index
    %swap3A_256 = vector.load %arg4[%swap3A_253, %swap3A_254, %swap3A_255] : memref<2x128x128xf32, #tpu.memory_space<vmem>>, vector<1x128x8xf32>
    %swap3A_257 = vector.shape_cast %swap3A_256 : vector<1x128x8xf32> to vector<128x8xf32>
    %swap3A_258 = vector.shape_cast %squeeze3A_252 : vector<128x8xf32> to vector<1x128x8xf32>
    tpu.vector_store %arg4[%swap3A_253, %swap3A_254, %swap3A_255], %swap3A_258 {strides = array<i32>} : memref<2x128x128xf32, #tpu.memory_space<vmem>>, vector<1x128x8xf32>,
    %slice3A_259 = vector.extract_strided_slice %reshape3A {offsets = [0, 10, 0], sizes = [128, 1, 8], strides = [1, 1, 1]} : vector<128x16x8xf32> to vector<128x1x8xf32>
    %squeeze3A_260 = vector.shape_cast %slice3A_259 : vector<128x1x8xf32> to vector<128x8xf32>
    %swap3A_261 = arith.constant 0 : index
    %swap3A_262 = arith.constant 0 : index
    %swap3A_263 = arith.constant 80 : index
    %swap3A_264 = vector.load %arg3[%swap3A_261, %swap3A_262, %swap3A_263] : memref<2x128x128xf32, #tpu.memory_space<vmem>>, vector<1x128x8xf32>
    %swap3A_265 = vector.shape_cast %swap3A_264 : vector<1x128x8xf32> to vector<128x8xf32>
    %swap3A_266 = vector.shape_cast %squeeze3A_260 : vector<128x8xf32> to vector<1x128x8xf32>
    tpu.vector_store %arg3[%swap3A_261, %swap3A_262, %swap3A_263], %swap3A_266 {strides = array<i32>} : memref<2x128x128xf32, #tpu.memory_space<vmem>>, vector<1x128x8xf32>,
    %slice3A_267 = vector.extract_strided_slice %reshape3A_19 {offsets = [0, 10, 0], sizes = [128, 1, 8], strides = [1, 1, 1]} : vector<128x16x8xf32> to vector<128x1x8xf32>
    %squeeze3A_268 = vector.shape_cast %slice3A_267 : vector<128x1x8xf32> to vector<128x8xf32>
    %swap3A_269 = arith.constant 1 : index
    %swap3A_270 = arith.constant 0 : index
    %swap3A_271 = arith.constant 80 : index
    %swap3A_272 = vector.load %arg3[%swap3A_269, %swap3A_270, %swap3A_271] : memref<2x128x128xf32, #tpu.memory_space<vmem>>, vector<1x128x8xf32>
    %swap3A_273 = vector.shape_cast %swap3A_272 : vector<1x128x8xf32> to vector<128x8xf32>
    %swap3A_274 = vector.shape_cast %squeeze3A_268 : vector<128x8xf32> to vector<1x128x8xf32>
    tpu.vector_store %arg3[%swap3A_269, %swap3A_270, %swap3A_271], %swap3A_274 {strides = array<i32>} : memref<2x128x128xf32, #tpu.memory_space<vmem>>, vector<1x128x8xf32>,
    %slice3A_275 = vector.extract_strided_slice %reshape3A_20 {offsets = [0, 10, 0], sizes = [128, 1, 8], strides = [1, 1, 1]} : vector<128x16x8xf32> to vector<128x1x8xf32>
    %squeeze3A_276 = vector.shape_cast %slice3A_275 : vector<128x1x8xf32> to vector<128x8xf32>
    %swap3A_277 = arith.constant 0 : index
    %swap3A_278 = arith.constant 0 : index
    %swap3A_279 = arith.constant 80 : index
    %swap3A_280 = vector.load %arg4[%swap3A_277, %swap3A_278, %swap3A_279] : memref<2x128x128xf32, #tpu.memory_space<vmem>>, vector<1x128x8xf32>
    %swap3A_281 = vector.shape_cast %swap3A_280 : vector<1x128x8xf32> to vector<128x8xf32>
    %swap3A_282 = vector.shape_cast %squeeze3A_276 : vector<128x8xf32> to vector<1x128x8xf32>
    tpu.vector_store %arg4[%swap3A_277, %swap3A_278, %swap3A_279], %swap3A_282 {strides = array<i32>} : memref<2x128x128xf32, #tpu.memory_space<vmem>>, vector<1x128x8xf32>,
    %slice3A_283 = vector.extract_strided_slice %reshape3A {offsets = [0, 11, 0], sizes = [128, 1, 8], strides = [1, 1, 1]} : vector<128x16x8xf32> to vector<128x1x8xf32>
    %squeeze3A_284 = vector.shape_cast %slice3A_283 : vector<128x1x8xf32> to vector<128x8xf32>
    %swap3A_285 = arith.constant 0 : index
    %swap3A_286 = arith.constant 0 : index
    %swap3A_287 = arith.constant 88 : index
    %swap3A_288 = vector.load %arg3[%swap3A_285, %swap3A_286, %swap3A_287] : memref<2x128x128xf32, #tpu.memory_space<vmem>>, vector<1x128x8xf32>
    %swap3A_289 = vector.shape_cast %swap3A_288 : vector<1x128x8xf32> to vector<128x8xf32>
    %swap3A_290 = vector.shape_cast %squeeze3A_284 : vector<128x8xf32> to vector<1x128x8xf32>
    tpu.vector_store %arg3[%swap3A_285, %swap3A_286, %swap3A_287], %swap3A_290 {strides = array<i32>} : memref<2x128x128xf32, #tpu.memory_space<vmem>>, vector<1x128x8xf32>,
    %slice3A_291 = vector.extract_strided_slice %reshape3A_19 {offsets = [0, 11, 0], sizes = [128, 1, 8], strides = [1, 1, 1]} : vector<128x16x8xf32> to vector<128x1x8xf32>
    %squeeze3A_292 = vector.shape_cast %slice3A_291 : vector<128x1x8xf32> to vector<128x8xf32>
    %swap3A_293 = arith.constant 1 : index
    %swap3A_294 = arith.constant 0 : index
    %swap3A_295 = arith.constant 88 : index
    %swap3A_296 = vector.load %arg3[%swap3A_293, %swap3A_294, %swap3A_295] : memref<2x128x128xf32, #tpu.memory_space<vmem>>, vector<1x128x8xf32>
    %swap3A_297 = vector.shape_cast %swap3A_296 : vector<1x128x8xf32> to vector<128x8xf32>
    %swap3A_298 = vector.shape_cast %squeeze3A_292 : vector<128x8xf32> to vector<1x128x8xf32>
    tpu.vector_store %arg3[%swap3A_293, %swap3A_294, %swap3A_295], %swap3A_298 {strides = array<i32>} : memref<2x128x128xf32, #tpu.memory_space<vmem>>, vector<1x128x8xf32>,
    %slice3A_299 = vector.extract_strided_slice %reshape3A_20 {offsets = [0, 11, 0], sizes = [128, 1, 8], strides = [1, 1, 1]} : vector<128x16x8xf32> to vector<128x1x8xf32>
    %squeeze3A_300 = vector.shape_cast %slice3A_299 : vector<128x1x8xf32> to vector<128x8xf32>
    %swap3A_301 = arith.constant 0 : index
    %swap3A_302 = arith.constant 0 : index
    %swap3A_303 = arith.constant 88 : index
    %swap3A_304 = vector.load %arg4[%swap3A_301, %swap3A_302, %swap3A_303] : memref<2x128x128xf32, #tpu.memory_space<vmem>>, vector<1x128x8xf32>
    %swap3A_305 = vector.shape_cast %swap3A_304 : vector<1x128x8xf32> to vector<128x8xf32>
    %swap3A_306 = vector.shape_cast %squeeze3A_300 : vector<128x8xf32> to vector<1x128x8xf32>
    tpu.vector_store %arg4[%swap3A_301, %swap3A_302, %swap3A_303], %swap3A_306 {strides = array<i32>} : memref<2x128x128xf32, #tpu.memory_space<vmem>>, vector<1x128x8xf32>,
    %slice3A_307 = vector.extract_strided_slice %reshape3A {offsets = [0, 12, 0], sizes = [128, 1, 8], strides = [1, 1, 1]} : vector<128x16x8xf32> to vector<128x1x8xf32>
    %squeeze3A_308 = vector.shape_cast %slice3A_307 : vector<128x1x8xf32> to vector<128x8xf32>
    %swap3A_309 = arith.constant 0 : index
    %swap3A_310 = arith.constant 0 : index
    %swap3A_311 = arith.constant 96 : index
    %swap3A_312 = vector.load %arg3[%swap3A_309, %swap3A_310, %swap3A_311] : memref<2x128x128xf32, #tpu.memory_space<vmem>>, vector<1x128x8xf32>
    %swap3A_313 = vector.shape_cast %swap3A_312 : vector<1x128x8xf32> to vector<128x8xf32>
    %swap3A_314 = vector.shape_cast %squeeze3A_308 : vector<128x8xf32> to vector<1x128x8xf32>
    tpu.vector_store %arg3[%swap3A_309, %swap3A_310, %swap3A_311], %swap3A_314 {strides = array<i32>} : memref<2x128x128xf32, #tpu.memory_space<vmem>>, vector<1x128x8xf32>,
    %slice3A_315 = vector.extract_strided_slice %reshape3A_19 {offsets = [0, 12, 0], sizes = [128, 1, 8], strides = [1, 1, 1]} : vector<128x16x8xf32> to vector<128x1x8xf32>
    %squeeze3A_316 = vector.shape_cast %slice3A_315 : vector<128x1x8xf32> to vector<128x8xf32>
    %swap3A_317 = arith.constant 1 : index
    %swap3A_318 = arith.constant 0 : index
    %swap3A_319 = arith.constant 96 : index
    %swap3A_320 = vector.load %arg3[%swap3A_317, %swap3A_318, %swap3A_319] : memref<2x128x128xf32, #tpu.memory_space<vmem>>, vector<1x128x8xf32>
    %swap3A_321 = vector.shape_cast %swap3A_320 : vector<1x128x8xf32> to vector<128x8xf32>
    %swap3A_322 = vector.shape_cast %squeeze3A_316 : vector<128x8xf32> to vector<1x128x8xf32>
    tpu.vector_store %arg3[%swap3A_317, %swap3A_318, %swap3A_319], %swap3A_322 {strides = array<i32>} : memref<2x128x128xf32, #tpu.memory_space<vmem>>, vector<1x128x8xf32>,
    %slice3A_323 = vector.extract_strided_slice %reshape3A_20 {offsets = [0, 12, 0], sizes = [128, 1, 8], strides = [1, 1, 1]} : vector<128x16x8xf32> to vector<128x1x8xf32>
    %squeeze3A_324 = vector.shape_cast %slice3A_323 : vector<128x1x8xf32> to vector<128x8xf32>
    %swap3A_325 = arith.constant 0 : index
    %swap3A_326 = arith.constant 0 : index
    %swap3A_327 = arith.constant 96 : index
    %swap3A_328 = vector.load %arg4[%swap3A_325, %swap3A_326, %swap3A_327] : memref<2x128x128xf32, #tpu.memory_space<vmem>>, vector<1x128x8xf32>
    %swap3A_329 = vector.shape_cast %swap3A_328 : vector<1x128x8xf32> to vector<128x8xf32>
    %swap3A_330 = vector.shape_cast %squeeze3A_324 : vector<128x8xf32> to vector<1x128x8xf32>
    tpu.vector_store %arg4[%swap3A_325, %swap3A_326, %swap3A_327], %swap3A_330 {strides = array<i32>} : memref<2x128x128xf32, #tpu.memory_space<vmem>>, vector<1x128x8xf32>,
    %slice3A_331 = vector.extract_strided_slice %reshape3A {offsets = [0, 13, 0], sizes = [128, 1, 8], strides = [1, 1, 1]} : vector<128x16x8xf32> to vector<128x1x8xf32>
    %squeeze3A_332 = vector.shape_cast %slice3A_331 : vector<128x1x8xf32> to vector<128x8xf32>
    %swap3A_333 = arith.constant 0 : index
    %swap3A_334 = arith.constant 0 : index
    %swap3A_335 = arith.constant 104 : index
    %swap3A_336 = vector.load %arg3[%swap3A_333, %swap3A_334, %swap3A_335] : memref<2x128x128xf32, #tpu.memory_space<vmem>>, vector<1x128x8xf32>
    %swap3A_337 = vector.shape_cast %swap3A_336 : vector<1x128x8xf32> to vector<128x8xf32>
    %swap3A_338 = vector.shape_cast %squeeze3A_332 : vector<128x8xf32> to vector<1x128x8xf32>
    tpu.vector_store %arg3[%swap3A_333, %swap3A_334, %swap3A_335], %swap3A_338 {strides = array<i32>} : memref<2x128x128xf32, #tpu.memory_space<vmem>>, vector<1x128x8xf32>,
    %slice3A_339 = vector.extract_strided_slice %reshape3A_19 {offsets = [0, 13, 0], sizes = [128, 1, 8], strides = [1, 1, 1]} : vector<128x16x8xf32> to vector<128x1x8xf32>
    %squeeze3A_340 = vector.shape_cast %slice3A_339 : vector<128x1x8xf32> to vector<128x8xf32>
    %swap3A_341 = arith.constant 1 : index
    %swap3A_342 = arith.constant 0 : index
    %swap3A_343 = arith.constant 104 : index
    %swap3A_344 = vector.load %arg3[%swap3A_341, %swap3A_342, %swap3A_343] : memref<2x128x128xf32, #tpu.memory_space<vmem>>, vector<1x128x8xf32>
    %swap3A_345 = vector.shape_cast %swap3A_344 : vector<1x128x8xf32> to vector<128x8xf32>
    %swap3A_346 = vector.shape_cast %squeeze3A_340 : vector<128x8xf32> to vector<1x128x8xf32>
    tpu.vector_store %arg3[%swap3A_341, %swap3A_342, %swap3A_343], %swap3A_346 {strides = array<i32>} : memref<2x128x128xf32, #tpu.memory_space<vmem>>, vector<1x128x8xf32>,
    %slice3A_347 = vector.extract_strided_slice %reshape3A_20 {offsets = [0, 13, 0], sizes = [128, 1, 8], strides = [1, 1, 1]} : vector<128x16x8xf32> to vector<128x1x8xf32>
    %squeeze3A_348 = vector.shape_cast %slice3A_347 : vector<128x1x8xf32> to vector<128x8xf32>
    %swap3A_349 = arith.constant 0 : index
    %swap3A_350 = arith.constant 0 : index
    %swap3A_351 = arith.constant 104 : index
    %swap3A_352 = vector.load %arg4[%swap3A_349, %swap3A_350, %swap3A_351] : memref<2x128x128xf32, #tpu.memory_space<vmem>>, vector<1x128x8xf32>
    %swap3A_353 = vector.shape_cast %swap3A_352 : vector<1x128x8xf32> to vector<128x8xf32>
    %swap3A_354 = vector.shape_cast %squeeze3A_348 : vector<128x8xf32> to vector<1x128x8xf32>
    tpu.vector_store %arg4[%swap3A_349, %swap3A_350, %swap3A_351], %swap3A_354 {strides = array<i32>} : memref<2x128x128xf32, #tpu.memory_space<vmem>>, vector<1x128x8xf32>,
    %slice3A_355 = vector.extract_strided_slice %reshape3A {offsets = [0, 14, 0], sizes = [128, 1, 8], strides = [1, 1, 1]} : vector<128x16x8xf32> to vector<128x1x8xf32>
    %squeeze3A_356 = vector.shape_cast %slice3A_355 : vector<128x1x8xf32> to vector<128x8xf32>
    %swap3A_357 = arith.constant 0 : index
    %swap3A_358 = arith.constant 0 : index
    %swap3A_359 = arith.constant 112 : index
    %swap3A_360 = vector.load %arg3[%swap3A_357, %swap3A_358, %swap3A_359] : memref<2x128x128xf32, #tpu.memory_space<vmem>>, vector<1x128x8xf32>
    %swap3A_361 = vector.shape_cast %swap3A_360 : vector<1x128x8xf32> to vector<128x8xf32>
    %swap3A_362 = vector.shape_cast %squeeze3A_356 : vector<128x8xf32> to vector<1x128x8xf32>
    tpu.vector_store %arg3[%swap3A_357, %swap3A_358, %swap3A_359], %swap3A_362 {strides = array<i32>} : memref<2x128x128xf32, #tpu.memory_space<vmem>>, vector<1x128x8xf32>,
    %slice3A_363 = vector.extract_strided_slice %reshape3A_19 {offsets = [0, 14, 0], sizes = [128, 1, 8], strides = [1, 1, 1]} : vector<128x16x8xf32> to vector<128x1x8xf32>
    %squeeze3A_364 = vector.shape_cast %slice3A_363 : vector<128x1x8xf32> to vector<128x8xf32>
    %swap3A_365 = arith.constant 1 : index
    %swap3A_366 = arith.constant 0 : index
    %swap3A_367 = arith.constant 112 : index
    %swap3A_368 = vector.load %arg3[%swap3A_365, %swap3A_366, %swap3A_367] : memref<2x128x128xf32, #tpu.memory_space<vmem>>, vector<1x128x8xf32>
    %swap3A_369 = vector.shape_cast %swap3A_368 : vector<1x128x8xf32> to vector<128x8xf32>
    %swap3A_370 = vector.shape_cast %squeeze3A_364 : vector<128x8xf32> to vector<1x128x8xf32>
    tpu.vector_store %arg3[%swap3A_365, %swap3A_366, %swap3A_367], %swap3A_370 {strides = array<i32>} : memref<2x128x128xf32, #tpu.memory_space<vmem>>, vector<1x128x8xf32>,
    %slice3A_371 = vector.extract_strided_slice %reshape3A_20 {offsets = [0, 14, 0], sizes = [128, 1, 8], strides = [1, 1, 1]} : vector<128x16x8xf32> to vector<128x1x8xf32>
    %squeeze3A_372 = vector.shape_cast %slice3A_371 : vector<128x1x8xf32> to vector<128x8xf32>
    %swap3A_373 = arith.constant 0 : index
    %swap3A_374 = arith.constant 0 : index
    %swap3A_375 = arith.constant 112 : index
    %swap3A_376 = vector.load %arg4[%swap3A_373, %swap3A_374, %swap3A_375] : memref<2x128x128xf32, #tpu.memory_space<vmem>>, vector<1x128x8xf32>
    %swap3A_377 = vector.shape_cast %swap3A_376 : vector<1x128x8xf32> to vector<128x8xf32>
    %swap3A_378 = vector.shape_cast %squeeze3A_372 : vector<128x8xf32> to vector<1x128x8xf32>
    tpu.vector_store %arg4[%swap3A_373, %swap3A_374, %swap3A_375], %swap3A_378 {strides = array<i32>} : memref<2x128x128xf32, #tpu.memory_space<vmem>>, vector<1x128x8xf32>,
    %slice3A_379 = vector.extract_strided_slice %reshape3A {offsets = [0, 15, 0], sizes = [128, 1, 8], strides = [1, 1, 1]} : vector<128x16x8xf32> to vector<128x1x8xf32>
    %squeeze3A_380 = vector.shape_cast %slice3A_379 : vector<128x1x8xf32> to vector<128x8xf32>
    %swap3A_381 = arith.constant 0 : index
    %swap3A_382 = arith.constant 0 : index
    %swap3A_383 = arith.constant 120 : index
    %swap3A_384 = vector.load %arg3[%swap3A_381, %swap3A_382, %swap3A_383] : memref<2x128x128xf32, #tpu.memory_space<vmem>>, vector<1x128x8xf32>
    %swap3A_385 = vector.shape_cast %swap3A_384 : vector<1x128x8xf32> to vector<128x8xf32>
    %swap3A_386 = vector.shape_cast %squeeze3A_380 : vector<128x8xf32> to vector<1x128x8xf32>
    tpu.vector_store %arg3[%swap3A_381, %swap3A_382, %swap3A_383], %swap3A_386 {strides = array<i32>} : memref<2x128x128xf32, #tpu.memory_space<vmem>>, vector<1x128x8xf32>,
    %slice3A_387 = vector.extract_strided_slice %reshape3A_19 {offsets = [0, 15, 0], sizes = [128, 1, 8], strides = [1, 1, 1]} : vector<128x16x8xf32> to vector<128x1x8xf32>
    %squeeze3A_388 = vector.shape_cast %slice3A_387 : vector<128x1x8xf32> to vector<128x8xf32>
    %swap3A_389 = arith.constant 1 : index
    %swap3A_390 = arith.constant 0 : index
    %swap3A_391 = arith.constant 120 : index
    %swap3A_392 = vector.load %arg3[%swap3A_389, %swap3A_390, %swap3A_391] : memref<2x128x128xf32, #tpu.memory_space<vmem>>, vector<1x128x8xf32>
    %swap3A_393 = vector.shape_cast %swap3A_392 : vector<1x128x8xf32> to vector<128x8xf32>
    %swap3A_394 = vector.shape_cast %squeeze3A_388 : vector<128x8xf32> to vector<1x128x8xf32>
    tpu.vector_store %arg3[%swap3A_389, %swap3A_390, %swap3A_391], %swap3A_394 {strides = array<i32>} : memref<2x128x128xf32, #tpu.memory_space<vmem>>, vector<1x128x8xf32>,
    %slice3A_395 = vector.extract_strided_slice %reshape3A_20 {offsets = [0, 15, 0], sizes = [128, 1, 8], strides = [1, 1, 1]} : vector<128x16x8xf32> to vector<128x1x8xf32>
    %squeeze3A_396 = vector.shape_cast %slice3A_395 : vector<128x1x8xf32> to vector<128x8xf32>
    %swap3A_397 = arith.constant 0 : index
    %swap3A_398 = arith.constant 0 : index
    %swap3A_399 = arith.constant 120 : index
    %swap3A_400 = vector.load %arg4[%swap3A_397, %swap3A_398, %swap3A_399] : memref<2x128x128xf32, #tpu.memory_space<vmem>>, vector<1x128x8xf32>
    %swap3A_401 = vector.shape_cast %swap3A_400 : vector<1x128x8xf32> to vector<128x8xf32>
    %swap3A_402 = vector.shape_cast %squeeze3A_396 : vector<128x8xf32> to vector<1x128x8xf32>
    tpu.vector_store %arg4[%swap3A_397, %swap3A_398, %swap3A_399], %swap3A_402 {strides = array<i32>} : memref<2x128x128xf32, #tpu.memory_space<vmem>>, vector<1x128x8xf32>,
    %broadcast_in_dim3A_403 = arith.constant 0.000000e+00 : f32
    %broadcast_in_dim3A_404 = vector.broadcast %broadcast_in_dim3A_403 : f32 to vector<128x128xf32>
    %swap3A_405 = arith.constant 1 : index
    %swap3A_406 = arith.constant 0 : index
    %swap3A_407 = arith.constant 0 : index
    %swap3A_408 = vector.load %arg4[%swap3A_405, %swap3A_406, %swap3A_407] : memref<2x128x128xf32, #tpu.memory_space<vmem>>, vector<1x128x128xf32>
    %swap3A_409 = vector.shape_cast %swap3A_408 : vector<1x128x128xf32> to vector<128x128xf32>
    %swap3A_410 = vector.shape_cast %broadcast_in_dim3A_404 : vector<128x128xf32> to vector<1x128x128xf32>
    tpu.vector_store %arg4[%swap3A_405, %swap3A_406, %swap3A_407], %swap3A_410 {strides = array<i32>} : memref<2x128x128xf32, #tpu.memory_space<vmem>>, vector<1x128x128xf32>,
    return
  }
  func.func @transform_0(%arg0: i32) -> (i32, i32) {
    %c0_i32 = arith.constant 0 : i32
    %c0_i32_0 = arith.constant 0 : i32
    return %arg0, %c0_i32 : i32, i32
  }
  func.func @transform_1(%arg0: i32) -> (i32, i32) {
    %c0_i32 = arith.constant 0 : i32
    %c0_i32_0 = arith.constant 0 : i32
    %c0_i32_1 = arith.constant 0 : i32
    return %c0_i32, %c0_i32_0 : i32, i32
  }
  func.func @transform_2(%arg0: i32) -> (i32, i32, i32) {
    %c0_i32 = arith.constant 0 : i32
    %c0_i32_0 = arith.constant 0 : i32
    %c0_i32_1 = arith.constant 0 : i32
    return %c0_i32, %arg0, %c0_i32_0 : i32, i32, i32
  }
  func.func @transform_3(%arg0: i32) -> (i32, i32, i32) {
    %c0_i32 = arith.constant 0 : i32
    %c0_i32_0 = arith.constant 0 : i32
    %c0_i32_1 = arith.constant 0 : i32
    return %c0_i32, %arg0, %c0_i32_0 : i32, i32, i32
  }
}

module attributes {stable_mosaic.version = 14 : i64} {
  func.func @_final_body(%arg0: i32, %arg1: memref<2x128x128xf32, #tpu.memory_space<vmem>>, %arg2: memref<2x128x128xf32, #tpu.memory_space<vmem>>, %arg3: memref<2x128x16xf32, #tpu.memory_space<vmem>>) attributes {dimension_semantics = [#tpu.dimension_semantics<arbitrary>], iteration_bounds = array<i64: 50>, scalar_prefetch = 0 : i64, scratch_operands = 0 : i64, tpu.core_type = #tpu.core_type<tc>, window_params = [{transform_indices = @transform_0, window_bounds = array<i64: 2, 128, 128>}, {transform_indices = @transform_1, window_bounds = array<i64: 2, 128, 128>}, {transform_indices = @transform_2, window_bounds = array<i64: 2, 128, 16>}]} {
    %iota3A = tpu.iota {dimensions = array<i32: 0>} : vector<128x128xi32>
    %iota3A_0 = tpu.iota {dimensions = array<i32: 1>} : vector<128x128xi32>
    %jit3A = arith.constant 8 : i32
    %div3A = vector.broadcast %jit3A : i32 to vector<128x128xi32>
    %div3A_1 = arith.divsi %iota3A_0, %div3A : vector<128x128xi32>
    %sign3A = arith.constant 0 : i32
    %sign3A_2 = vector.broadcast %sign3A : i32 to vector<128x128xi32>
    %sign3A_3 = arith.cmpi sgt, %iota3A_0, %sign3A_2 : vector<128x128xi32>
    %sign3A_4 = arith.extui %sign3A_3 : vector<128x128xi1> to vector<128x128xi32>
    %sign3A_5 = arith.constant 0 : i32
    %sign3A_6 = vector.broadcast %sign3A_5 : i32 to vector<128x128xi32>
    %sign3A_7 = arith.cmpi slt, %iota3A_0, %sign3A_6 : vector<128x128xi32>
    %sign3A_8 = arith.extui %sign3A_7 : vector<128x128xi1> to vector<128x128xi32>
    %sign3A_9 = arith.subi %sign3A_4, %sign3A_8 : vector<128x128xi32>
    %sign3A_10 = arith.constant 0 : i32
    %sign3A_11 = arith.cmpi sgt, %jit3A, %sign3A_10 : i32
    %sign3A_12 = arith.extui %sign3A_11 : i1 to i32
    %sign3A_13 = arith.constant 0 : i32
    %sign3A_14 = arith.cmpi slt, %jit3A, %sign3A_13 : i32
    %sign3A_15 = arith.extui %sign3A_14 : i1 to i32
    %sign3A_16 = arith.subi %sign3A_12, %sign3A_15 : i32
    %ne3A = vector.broadcast %sign3A_16 : i32 to vector<128x128xi32>
    %ne3A_17 = arith.cmpi ne, %sign3A_9, %ne3A : vector<128x128xi32>
    %rem3A = vector.broadcast %jit3A : i32 to vector<128x128xi32>
    %rem3A_18 = arith.remsi %iota3A_0, %rem3A : vector<128x128xi32>
    %ne3A_19 = arith.constant 0 : i32
    %ne3A_20 = vector.broadcast %ne3A_19 : i32 to vector<128x128xi32>
    %ne3A_21 = arith.cmpi ne, %rem3A_18, %ne3A_20 : vector<128x128xi32>
    %and3A = arith.andi %ne3A_17, %ne3A_21 : vector<128x128xi1>
    %sub3A = arith.constant 1 : i32
    %sub3A_22 = vector.broadcast %sub3A : i32 to vector<128x128xi32>
    %sub3A_23 = arith.subi %div3A_1, %sub3A_22 : vector<128x128xi32>
    %select_n3A = arith.select %and3A, %sub3A_23, %div3A_1 : vector<128x128xi1>, vector<128x128xi32>
    %mul3A = arith.constant 8 : i32
    %mul3A_24 = vector.broadcast %mul3A : i32 to vector<128x128xi32>
    %mul3A_25 = arith.muli %select_n3A, %mul3A_24 : vector<128x128xi32>
    %add3A = arith.constant 2 : i32
    %add3A_26 = vector.broadcast %add3A : i32 to vector<128x128xi32>
    %add3A_27 = arith.addi %mul3A_25, %add3A_26 : vector<128x128xi32>
    %eq3A = arith.cmpi eq, %add3A_27, %iota3A : vector<128x128xi32>
    %convert_element_type3A = arith.extui %eq3A : vector<128x128xi1> to vector<128x128xi32>
    %convert_element_type3A_28 = arith.sitofp %convert_element_type3A : vector<128x128xi32> to vector<128x128xf32>
    %slice3A = vector.extract_strided_slice %iota3A_0 {offsets = [0, 0], sizes = [1, 128], strides = [1, 1]} : vector<128x128xi32> to vector<1x128xi32>
    %jit3A_29 = arith.constant 8 : i32
    %eq3A_30 = arith.constant 0 : i32
    %eq3A_31 = arith.cmpi eq, %jit3A_29, %eq3A_30 : i32
    %jit3A_32 = arith.constant 1 : i32
    %select_n3A_33 = arith.select %eq3A_31, %jit3A_32, %jit3A_29 : i32
    %rem3A_34 = vector.broadcast %select_n3A_33 : i32 to vector<1x128xi32>
    %rem3A_35 = arith.remsi %slice3A, %rem3A_34 : vector<1x128xi32>
    %ne3A_36 = arith.constant 0 : i32
    %ne3A_37 = vector.broadcast %ne3A_36 : i32 to vector<1x128xi32>
    %ne3A_38 = arith.cmpi ne, %rem3A_35, %ne3A_37 : vector<1x128xi32>
    %lt3A = arith.constant 0 : i32
    %lt3A_39 = vector.broadcast %lt3A : i32 to vector<1x128xi32>
    %lt3A_40 = arith.cmpi slt, %rem3A_35, %lt3A_39 : vector<1x128xi32>
    %lt3A_41 = arith.constant 0 : i32
    %lt3A_42 = arith.cmpi slt, %select_n3A_33, %lt3A_41 : i32
    %ne3A_43 = vector.broadcast %lt3A_42 : i1 to vector<1x128xi1>
    %ne3A_44 = vector.broadcast %ne3A_43 : vector<1x128xi1> to vector<1x128xi1>
    %ne3A_45 = arith.xori %lt3A_40, %ne3A_44 : vector<1x128xi1>
    %and3A_46 = arith.andi %ne3A_45, %ne3A_38 : vector<1x128xi1>
    %add3A_47 = vector.broadcast %select_n3A_33 : i32 to vector<1x128xi32>
    %add3A_48 = arith.addi %rem3A_35, %add3A_47 : vector<1x128xi32>
    %select_n3A_49 = arith.select %and3A_46, %add3A_48, %rem3A_35 : vector<1x128xi1>, vector<1x128xi32>
    %lt3A_50 = arith.constant 2 : i32
    %lt3A_51 = vector.broadcast %lt3A_50 : i32 to vector<1x128xi32>
    %lt3A_52 = arith.cmpi slt, %select_n3A_49, %lt3A_51 : vector<1x128xi32>
    %iota3A_53 = tpu.iota {dimensions = array<i32: 0>} : vector<128x16xi32>
    %iota3A_54 = tpu.iota {dimensions = array<i32: 1>} : vector<128x16xi32>
    %mul3A_55 = arith.constant 8 : i32
    %mul3A_56 = vector.broadcast %mul3A_55 : i32 to vector<128x16xi32>
    %mul3A_57 = arith.muli %mul3A_56, %iota3A_54 : vector<128x16xi32>
    %add3A_58 = arith.constant 0 : i32
    %add3A_59 = vector.broadcast %add3A_58 : i32 to vector<128x16xi32>
    %add3A_60 = arith.addi %mul3A_57, %add3A_59 : vector<128x16xi32>
    %eq3A_61 = arith.cmpi eq, %iota3A_53, %add3A_60 : vector<128x16xi32>
    %convert_element_type3A_62 = arith.extui %eq3A_61 : vector<128x16xi1> to vector<128x16xi32>
    %convert_element_type3A_63 = arith.sitofp %convert_element_type3A_62 : vector<128x16xi32> to vector<128x16xf32>
    %mul3A_64 = arith.constant 8 : i32
    %mul3A_65 = vector.broadcast %mul3A_64 : i32 to vector<128x16xi32>
    %mul3A_66 = arith.muli %mul3A_65, %iota3A_54 : vector<128x16xi32>
    %add3A_67 = arith.constant 1 : i32
    %add3A_68 = vector.broadcast %add3A_67 : i32 to vector<128x16xi32>
    %add3A_69 = arith.addi %mul3A_66, %add3A_68 : vector<128x16xi32>
    %eq3A_70 = arith.cmpi eq, %iota3A_53, %add3A_69 : vector<128x16xi32>
    %convert_element_type3A_71 = arith.extui %eq3A_70 : vector<128x16xi1> to vector<128x16xi32>
    %convert_element_type3A_72 = arith.sitofp %convert_element_type3A_71 : vector<128x16xi32> to vector<128x16xf32>
    %mul3A_73 = arith.constant 8 : i32
    %mul3A_74 = vector.broadcast %mul3A_73 : i32 to vector<128x16xi32>
    %mul3A_75 = arith.muli %mul3A_74, %iota3A_54 : vector<128x16xi32>
    %add3A_76 = arith.constant 3 : i32
    %add3A_77 = vector.broadcast %add3A_76 : i32 to vector<128x16xi32>
    %add3A_78 = arith.addi %mul3A_75, %add3A_77 : vector<128x16xi32>
    %add3A_79 = arith.constant 0 : i32
    %add3A_80 = vector.broadcast %add3A_79 : i32 to vector<128x16xi32>
    %add3A_81 = arith.addi %add3A_78, %add3A_80 : vector<128x16xi32>
    %eq3A_82 = arith.cmpi eq, %iota3A_53, %add3A_81 : vector<128x16xi32>
    %convert_element_type3A_83 = arith.extui %eq3A_82 : vector<128x16xi1> to vector<128x16xi32>
    %convert_element_type3A_84 = arith.sitofp %convert_element_type3A_83 : vector<128x16xi32> to vector<128x16xf32>
    %mul3A_85 = arith.constant 8 : i32
    %mul3A_86 = vector.broadcast %mul3A_85 : i32 to vector<128x16xi32>
    %mul3A_87 = arith.muli %mul3A_86, %iota3A_54 : vector<128x16xi32>
    %add3A_88 = arith.constant 3 : i32
    %add3A_89 = vector.broadcast %add3A_88 : i32 to vector<128x16xi32>
    %add3A_90 = arith.addi %mul3A_87, %add3A_89 : vector<128x16xi32>
    %add3A_91 = arith.constant 1 : i32
    %add3A_92 = vector.broadcast %add3A_91 : i32 to vector<128x16xi32>
    %add3A_93 = arith.addi %add3A_90, %add3A_92 : vector<128x16xi32>
    %eq3A_94 = arith.cmpi eq, %iota3A_53, %add3A_93 : vector<128x16xi32>
    %convert_element_type3A_95 = arith.extui %eq3A_94 : vector<128x16xi1> to vector<128x16xi32>
    %convert_element_type3A_96 = arith.sitofp %convert_element_type3A_95 : vector<128x16xi32> to vector<128x16xf32>
    %get3A = arith.constant 0 : index
    %get3A_97 = arith.constant 0 : index
    %get3A_98 = arith.constant 0 : index
    %get3A_99 = vector.load %arg1[%get3A, %get3A_97, %get3A_98] : memref<2x128x128xf32, #tpu.memory_space<vmem>>, vector<2x128x128xf32>
    %slice3A_100 = vector.extract_strided_slice %get3A_99 {offsets = [0, 0, 0], sizes = [1, 128, 128], strides = [1, 1, 1]} : vector<2x128x128xf32> to vector<1x128x128xf32>
    %squeeze3A = vector.shape_cast %slice3A_100 : vector<1x128x128xf32> to vector<128x128xf32>
    %slice3A_101 = vector.extract_strided_slice %get3A_99 {offsets = [1, 0, 0], sizes = [1, 128, 128], strides = [1, 1, 1]} : vector<2x128x128xf32> to vector<1x128x128xf32>
    %squeeze3A_102 = vector.shape_cast %slice3A_101 : vector<1x128x128xf32> to vector<128x128xf32>
    %add3A_103 = arith.addf %squeeze3A, %squeeze3A_102 : vector<128x128xf32>
    %dot_general3A = arith.constant dense<0.000000e+00> : vector<128x128xf32>
    %dot_general3A_104 = tpu.matmul %add3A_103, %convert_element_type3A_28, %dot_general3A {dimension_numbers = #tpu.dot_dimension_numbers<[1], [0], [0], [1], [0, 0, 1, 1], [], []>, transpose_lhs_hint = false} : vector<128x128xf32>, vector<128x128xf32>, vector<128x128xf32> -> vector<128x128xf32>
    %max3A = arith.constant 1.000000e+00 : f32
    %max3A_105 = vector.broadcast %max3A : f32 to vector<128x128xf32>
    %max3A_106 = arith.maximumf %dot_general3A_104, %max3A_105 : vector<128x128xf32>
    %div3A_107 = arith.divf %add3A_103, %max3A_106 : vector<128x128xf32>
    %broadcast_in_dim3A = vector.shape_cast %lt3A_52 : vector<1x128xi1> to vector<1x128xi1>
    %broadcast_in_dim3A_108 = vector.broadcast %broadcast_in_dim3A : vector<1x128xi1> to vector<128x128xi1>
    %select_n3A_109 = arith.select %broadcast_in_dim3A_108, %div3A_107, %add3A_103 : vector<128x128xi1>, vector<128x128xf32>
    %add3A_110 = arith.addf %convert_element_type3A_63, %convert_element_type3A_84 : vector<128x16xf32>
    %dot_general3A_111 = arith.constant dense<0.000000e+00> : vector<128x16xf32>
    %dot_general3A_112 = tpu.matmul %select_n3A_109, %add3A_110, %dot_general3A_111 {dimension_numbers = #tpu.dot_dimension_numbers<[1], [0], [0], [1], [0, 0, 1, 1], [], []>, transpose_lhs_hint = false} : vector<128x128xf32>, vector<128x16xf32>, vector<128x16xf32> -> vector<128x16xf32>
    %add3A_113 = arith.addf %convert_element_type3A_72, %convert_element_type3A_96 : vector<128x16xf32>
    %dot_general3A_114 = arith.constant dense<0.000000e+00> : vector<128x16xf32>
    %dot_general3A_115 = tpu.matmul %select_n3A_109, %add3A_113, %dot_general3A_114 {dimension_numbers = #tpu.dot_dimension_numbers<[1], [0], [0], [1], [0, 0, 1, 1], [], []>, transpose_lhs_hint = false} : vector<128x128xf32>, vector<128x16xf32>, vector<128x16xf32> -> vector<128x16xf32>
    %get3A_116 = arith.constant 0 : index
    %get3A_117 = arith.constant 0 : index
    %get3A_118 = arith.constant 0 : index
    %get3A_119 = vector.load %arg2[%get3A_116, %get3A_117, %get3A_118] : memref<2x128x128xf32, #tpu.memory_space<vmem>>, vector<2x128x128xf32>
    %slice3A_120 = vector.extract_strided_slice %get3A_119 {offsets = [0, 0, 0], sizes = [1, 128, 128], strides = [1, 1, 1]} : vector<2x128x128xf32> to vector<1x128x128xf32>
    %squeeze3A_121 = vector.shape_cast %slice3A_120 : vector<1x128x128xf32> to vector<128x128xf32>
    %slice3A_122 = vector.extract_strided_slice %get3A_119 {offsets = [1, 0, 0], sizes = [1, 128, 128], strides = [1, 1, 1]} : vector<2x128x128xf32> to vector<1x128x128xf32>
    %squeeze3A_123 = vector.shape_cast %slice3A_122 : vector<1x128x128xf32> to vector<128x128xf32>
    %add3A_124 = arith.addf %squeeze3A_121, %squeeze3A_123 : vector<128x128xf32>
    %dot_general3A_125 = arith.constant dense<0.000000e+00> : vector<128x128xf32>
    %dot_general3A_126 = tpu.matmul %add3A_124, %convert_element_type3A_28, %dot_general3A_125 {dimension_numbers = #tpu.dot_dimension_numbers<[1], [0], [0], [1], [0, 0, 1, 1], [], []>, transpose_lhs_hint = false} : vector<128x128xf32>, vector<128x128xf32>, vector<128x128xf32> -> vector<128x128xf32>
    %max3A_127 = arith.constant 1.000000e+00 : f32
    %max3A_128 = vector.broadcast %max3A_127 : f32 to vector<128x128xf32>
    %max3A_129 = arith.maximumf %dot_general3A_126, %max3A_128 : vector<128x128xf32>
    %div3A_130 = arith.divf %add3A_124, %max3A_129 : vector<128x128xf32>
    %broadcast_in_dim3A_131 = vector.shape_cast %lt3A_52 : vector<1x128xi1> to vector<1x128xi1>
    %broadcast_in_dim3A_132 = vector.broadcast %broadcast_in_dim3A_131 : vector<1x128xi1> to vector<128x128xi1>
    %select_n3A_133 = arith.select %broadcast_in_dim3A_132, %div3A_130, %add3A_124 : vector<128x128xi1>, vector<128x128xf32>
    %dot_general3A_134 = arith.constant dense<0.000000e+00> : vector<128x16xf32>
    %dot_general3A_135 = tpu.matmul %select_n3A_133, %convert_element_type3A_63, %dot_general3A_134 {dimension_numbers = #tpu.dot_dimension_numbers<[1], [0], [0], [1], [0, 0, 1, 1], [], []>, transpose_lhs_hint = false} : vector<128x128xf32>, vector<128x16xf32>, vector<128x16xf32> -> vector<128x16xf32>
    %add3A_136 = arith.addf %dot_general3A_112, %dot_general3A_135 : vector<128x16xf32>
    %dot_general3A_137 = arith.constant dense<0.000000e+00> : vector<128x16xf32>
    %dot_general3A_138 = tpu.matmul %select_n3A_133, %convert_element_type3A_72, %dot_general3A_137 {dimension_numbers = #tpu.dot_dimension_numbers<[1], [0], [0], [1], [0, 0, 1, 1], [], []>, transpose_lhs_hint = false} : vector<128x128xf32>, vector<128x16xf32>, vector<128x16xf32> -> vector<128x16xf32>
    %add3A_139 = arith.addf %dot_general3A_115, %dot_general3A_138 : vector<128x16xf32>
    %swap3A = arith.constant 0 : index
    %swap3A_140 = arith.constant 0 : index
    %swap3A_141 = arith.constant 0 : index
    %swap3A_142 = vector.load %arg3[%swap3A, %swap3A_140, %swap3A_141] : memref<2x128x16xf32, #tpu.memory_space<vmem>>, vector<1x128x16xf32>
    %swap3A_143 = vector.shape_cast %swap3A_142 : vector<1x128x16xf32> to vector<128x16xf32>
    %swap3A_144 = vector.shape_cast %add3A_136 : vector<128x16xf32> to vector<1x128x16xf32>
    tpu.vector_store %arg3[%swap3A, %swap3A_140, %swap3A_141], %swap3A_144 {strides = array<i32>} : memref<2x128x16xf32, #tpu.memory_space<vmem>>, vector<1x128x16xf32>,
    %swap3A_145 = arith.constant 1 : index
    %swap3A_146 = arith.constant 0 : index
    %swap3A_147 = arith.constant 0 : index
    %swap3A_148 = vector.load %arg3[%swap3A_145, %swap3A_146, %swap3A_147] : memref<2x128x16xf32, #tpu.memory_space<vmem>>, vector<1x128x16xf32>
    %swap3A_149 = vector.shape_cast %swap3A_148 : vector<1x128x16xf32> to vector<128x16xf32>
    %swap3A_150 = vector.shape_cast %add3A_139 : vector<128x16xf32> to vector<1x128x16xf32>
    tpu.vector_store %arg3[%swap3A_145, %swap3A_146, %swap3A_147], %swap3A_150 {strides = array<i32>} : memref<2x128x16xf32, #tpu.memory_space<vmem>>, vector<1x128x16xf32>,
    return
  }
  func.func @transform_0(%arg0: i32) -> (i32, i32, i32) {
    %c0_i32 = arith.constant 0 : i32
    %c0_i32_0 = arith.constant 0 : i32
    %c0_i32_1 = arith.constant 0 : i32
    return %c0_i32, %arg0, %c0_i32_0 : i32, i32, i32
  }
  func.func @transform_1(%arg0: i32) -> (i32, i32, i32) {
    %add3A = arith.constant 50 : i32
    %add3A_0 = arith.addi %add3A, %arg0 : i32
    %c0_i32 = arith.constant 0 : i32
    %c0_i32_1 = arith.constant 0 : i32
    %c0_i32_2 = arith.constant 0 : i32
    return %c0_i32, %add3A_0, %c0_i32_1 : i32, i32, i32
  }
  func.func @transform_2(%arg0: i32) -> (i32, i32, i32) {
    %c0_i32 = arith.constant 0 : i32
    %c0_i32_0 = arith.constant 0 : i32
    %c0_i32_1 = arith.constant 0 : i32
    return %c0_i32, %arg0, %c0_i32_0 : i32, i32, i32
  }
}

</mosaic_0001>

<sc_bundles>
// kernel: kernel.5.cloned.1.call-start
scs
__scs_entry_jumppad:
0x0: {  	(pc) =	sbr.rel $0x88, $3  }
0x1: {  	(tag) =	ssettag $0x0;
	lr =	simm.s32 $0x1  }
0x2: {  	[smem:$0x3F9C] =	sst lr;
	_ =	strace $0xD0000000  }
0x3: {  	_ = 	snop  }
0x4: {  	_ = 	snop  }
0x5: {  	_ = 	snop  }
0x6: {  	_ = 	snop  }
0x7: {  	_ = 	snop  }
__scs_overlays_trampoline_lowered:
0x8: {  	[smem:$0x3FAB] =	sst s0  }
0x9: {  	[smem:$0x3FAC] =	sst s1  }
0xa: {  	[smem:$0x3FAD] =	sst s2  }
0xb: {  	[smem:$0x3FAE] =	sst s3  }
0xc: {  	[smem:$0x3FAF] =	sst s4  }
0xd: {  	[smem:$0x3FB0] =	sst s5  }
0xe: {  	[smem:$0x3FB1] =	sst s6  }
0xf: {  	[smem:$0x3FB2] =	sst s7  }
0x10: {  	[smem:$0x3FB3] =	sst s8  }
0x11: {  	[smem:$0x3FB4] =	sst s9;
	s0 =	simm.s32 @!p0 $0x0  }
0x12: {  	s1 =	sld [smem:$0x3F9A];
	s0 =	simm.s32 @p0 $0x1  }
0x13: {  	[smem:$0x3FB5] =	sst s0;
	s0 =	simm.s32 @!p1 $0x0  }
0x14: {  	s2 =	sld [smem:$0x3F99];
	s0 =	simm.s32 @p1 $0x1  }
0x15: {  	[smem:$0x3FB6] =	sst s0;
	s0 =	simm.s32 @!p2 $0x0  }
0x16: {  	s3 =	sld [smem:$0x3FDB];
	s0 =	simm.s32 @p2 $0x1  }
0x17: {  	s4 =	simm.s32 $0x1BF5;
	[smem:$0x3FB8] =	sst s0  }
0x18: {  	s0 =	sld [smem:$0x3F9B];
	_ =	swait.ge [sflag:s4], $0x0  }
0x19: {  	s7 =	sld [smem:$0x3F9C]  }
0x1a: {  	s8 =	sadd.s32 $0xFFFFE003, lr  }
0x1b: {  	s9 =	sadd.s32 $0xFFFFFEF7, lr;
	s5 =	simm.s32 $0xFFFFFFFF;
	p2 =	slt.u32 s8, $0xFFFFF086  }
0x1c: {  	p1 =	slt.u32 s9, $0xF7A;
	s5 =	simm.s32 @!p2 $0x0  }
0x1d: {  	s5 =	simm.s32 @p1 $0x1;
	p0 =	seq.s32 s7, s2  }
0x1e: {  	s7 =	smul.u32 @!p0 $0xF7A, s2;
	p2 =	seq.s32 @!p0 s5, $0x0  }
0x1f: {  	s9 =	smul.u32 $0xF7A, s1;
	s8 =	simm.s32 @!p0 $0x1BF5;
	p2 =	por !p2, p0  }
0x20: {  	[sflag:s8] =	ssyncset.s32 @!p0 $0xFFFFF086;
	s6 =	sadd.s32 @!p0 s3, s7;
	s7 =	simm.s32 @!p0 $0x108  }
0x21: {  	s3 =	sadd.s32 s3, s9;
	s6 =	sadd.s32 @!p0 $0x88, s6;
	s7 =	simm.s32 @p2 $0x1082  }
0x22: {  	[simem:s7], [sflag:s8] =	dma.local @!p0 [hbm:s6], $0xF7A  }
0x23: {  	s9 =	sor.u32 $0xD0000000, s2;
	s6 =	simm.s32 $0x108;
	_ =	swait.ge @!p0 [sflag:s8], $0x0  }
0x24: {  	s3 =	sadd.s32 $0x88, s3;
	s6 =	simm.s32 @!p1 $0x1082;
	[sflag:s4] =	ssyncset.s32 $0xFFFFF086  }
0x25: {  	[simem:s6], [sflag:s4] =	dma.local [hbm:s3], $0xF7A  }
0x26: {  	[smem:$0x3F9C] =	sst s1;
	(tag) =	ssettag s2;
	_ =	strace s9  }
0x27: {  	s1 =	sld [smem:$0x3FAC]  }
0x28: {  	s2 =	sld [smem:$0x3FAD]  }
0x29: {  	s4 =	sld [smem:$0x3FAF]  }
0x2a: {  	p0 =	seq.s32 s5, $0x0;
	s5 =	sld [smem:$0x3FB0]  }
0x2b: {  	s6 =	sld [smem:$0x3FB1]  }
0x2c: {  	s7 =	sld [smem:$0x3FB2]  }
0x2d: {  	s3 =	simm.s32 $0x108;
	s8 =	sld [smem:$0x3FB3]  }
0x2e: {  	s3 =	simm.s32 @!p0 $0x1082;
	s9 =	sld [smem:$0x3FB4]  }
0x2f: {  	lr =	sadd.s32 s0, s3;
	s0 =	sld [smem:$0x3FAB]  }
0x30: {  	s3 =	sld [smem:$0x3FAE]  }
0x31: {  	[smem:$0x3FB7] =	sst s10  }
0x32: {  	s10 =	sld [smem:$0x3FB5];
	_ =	sdelay $0x3  }
0x33: {  	p0 =	seq.s32 s10, $0x1;
	s10 =	sld [smem:$0x3FB7];
	_ =	sdelay $0x3  }
0x34: {  	[smem:$0x3FB7] =	sst s10  }
0x35: {  	s10 =	sld [smem:$0x3FB6];
	_ =	sdelay $0x3  }
0x36: {  	p1 =	seq.s32 s10, $0x1;
	s10 =	sld [smem:$0x3FB7];
	_ =	sdelay $0x3  }
0x37: {  	[smem:$0x3FB7] =	sst s10  }
0x38: {  	s10 =	sld [smem:$0x3FB8]  }
0x39: {  	_ = 	snop;
	(pc) =	sbr.ind lr, $3  }
0x3a: {  	_ = 	snop  }
0x3b: {  	_ = 	snop  }
0x3c: {  	p2 =	seq.s32 s10, $0x1;
	s10 =	sld [smem:$0x3FB7]  }
0x3d: {  	_ =	shalt  }
0x3e: {  	_ =	shalt  }
0x3f: {  	_ =	shalt  }
0x40: {  	_ =	shalt  }
0x41: {  	_ =	shalt  }
0x42: {  	_ =	shalt  }
0x43: {  	_ =	shalt  }
0x44: {  	_ =	shalt  }
0x45: {  	_ =	shalt  }
0x46: {  	_ =	shalt  }
0x47: {  	_ =	shalt  }
0x48: {  	_ =	shalt  }
0x49: {  	_ =	shalt  }
0x4a: {  	_ =	shalt  }
0x4b: {  	_ =	shalt  }
0x4c: {  	_ =	shalt  }
0x4d: {  	_ =	shalt  }
0x4e: {  	_ =	shalt  }
0x4f: {  	_ =	shalt  }
0x50: {  	_ =	shalt  }
0x51: {  	_ =	shalt  }
0x52: {  	_ =	shalt  }
0x53: {  	_ =	shalt  }
0x54: {  	_ =	shalt  }
0x55: {  	_ =	shalt  }
0x56: {  	_ =	shalt  }
0x57: {  	_ =	shalt  }
0x58: {  	_ =	shalt  }
0x59: {  	_ =	shalt  }
0x5a: {  	_ =	shalt  }
0x5b: {  	_ =	shalt  }
0x5c: {  	_ =	shalt  }
0x5d: {  	_ =	shalt  }
0x5e: {  	_ =	shalt  }
0x5f: {  	_ =	shalt  }
0x60: {  	_ =	shalt  }
0x61: {  	_ =	shalt  }
0x62: {  	_ =	shalt  }
0x63: {  	_ =	shalt  }
0x64: {  	_ =	shalt  }
0x65: {  	_ =	shalt  }
0x66: {  	_ =	shalt  }
0x67: {  	_ =	shalt  }
0x68: {  	_ =	shalt  }
0x69: {  	_ =	shalt  }
0x6a: {  	_ =	shalt  }
0x6b: {  	_ =	shalt  }
0x6c: {  	_ =	shalt  }
0x6d: {  	_ =	shalt  }
0x6e: {  	_ =	shalt  }
0x6f: {  	_ =	shalt  }
0x70: {  	_ =	shalt  }
0x71: {  	_ =	shalt  }
0x72: {  	_ =	shalt  }
0x73: {  	_ =	shalt  }
0x74: {  	_ =	shalt  }
0x75: {  	_ =	shalt  }
0x76: {  	_ =	shalt  }
0x77: {  	_ =	shalt  }
0x78: {  	_ =	shalt  }
0x79: {  	_ =	shalt  }
0x7a: {  	_ =	shalt  }
0x7b: {  	_ =	shalt  }
0x7c: {  	_ =	shalt  }
0x7d: {  	_ =	shalt  }
0x7e: {  	_ =	shalt  }
0x7f: {  	_ =	shalt  }
0x80: {  	_ =	shalt  }
0x81: {  	_ =	shalt  }
0x82: {  	_ =	shalt  }
0x83: {  	_ =	shalt  }
0x84: {  	_ =	shalt  }
0x85: {  	_ =	shalt  }
0x86: {  	_ =	shalt  }
0x87: {  	_ =	shalt  }
.Lfunc_end0:
.L_simem_size_0:
called_computation_lowered:
.L_overlay_start_0:
0x88: {  	s2 =	sld [smem:$0x3FD9]  }
0x89: {  	s3 =	sld [smem:$0x3FFE];
	_ =	sdelay $0x1  }
0x8a: {  	s1 =	srdreg.scid  }
0x8b: {  	s0 =	sand.u32 $0x1, s1  }
0x8c: {  	s17 =	sshll.u32 s0, $0xA;
	s2 =	sadd.s32 s3, s2  }
0x8d: {  	s2 =	sadd.s32 s2, s17  }
0x8e: {  	[smem:$0x3FC3] =	sst s2  }
0x8f: {  	_ = 	snop  }
0x90: {  	s2 =	sld [smem:$0x3FC7];
	(tm) =	ssettm $0x1  }
0x91: {  	s18 =	sld [smem:$0x3FFB];
	_ =	sdelay $0x3  }
0x92: {  	_ =	strace s18  }
0x93: {  	s3 =	sld [smem:$0x3FFC];
	_ =	sdelay $0x3  }
0x94: {  	_ =	strace s3  }
0x95: {  	s3 =	sld [smem:$0x3FFD];
	_ =	sdelay $0x3  }
0x96: {  	_ =	strace s3  }
0x97: {  	_ =	strace $0x8FFFFFFF  }
0x98: {  	s19 =	sld [smem:$0x3FDB];
	_ =	sdelay $0x1  }
0x99: {  	s4 =	simm.s32 $_scs_section_size  }
0x9a: {  	s5 =	simm.s32 $_size__tile_overlayer_lowered;
	s6 =	simm.s32 $_tile_overlayer_lowered  }
0x9b: {  	s22 =	simm.s32 $0x1BFF;
	s21 =	sshll.u32 s6, $0x1;
	s3 =	sadd.s32 s4, s19  }
0x9c: {  	s7 =	simm.s32 $0x0;
	s20 =	sshll.u32 s5, $0x1;
	s5 =	sadd.s32 s21, s3  }
0x9d: {  	[timem:s7], [sflag:s22] =	dma.local [hbm:s5], s20  }
0x9e: {  	_ =	swait.ge [sflag:s22], s20  }
0x9f: {  	s4 =	ssub.s32 $0x0, s20;
	[sflag:s22] =	ssyncset.done $0x0  }
0xa0: {  	[sflag:s22] =	ssyncadd.s32 s4;
	_ =	sdelay $0x1  }
0xa1: {  	s23 =	simm.s32 $0x1B8B  }
0xa2: {  	_ =	swait.ge [sflag:s23], $0x1  }
0xa3: {  	[sflag:s23] =	ssyncset.done $0x0  }
0xa4: {  	s25 =	simm.s32 $0x1B8E;
	s24 =	sld [smem:$0x3FFE];
	[sflag:s23] =	ssyncadd.s32 $0xFFFFFFFF  }
0xa5: {  	s26 =	simm.s32 $execute0_lowered;
	[smem:$0x3FD2] =	sst s25  }
0xa6: {  	s5 =	sshll.u32 s26, $0x1;
	_ =	strace $0x80000046;
	[dreg:$0x1] =	wrdreg $0xFFFFFFFF  }
0xa7: {  	s28 =	simm.s32 $_size_execute0_lowered;
	s3 =	sadd.s32 s3, s5;
	[dreg:$0x0] =	wrdreg $0x0  }
0xa8: {  	s5 =	sshll.u32 s28, $0x1;
	[dreg:$0x2] =	wrdreg s3  }
0xa9: {  	[dreg:$0x3] =	wrdreg s5  }
0xaa: {  	[dreg:$0x4] =	wrdreg $0xC0  }
0xab: {  	_ =	task [dreg:s7], $0x5FFFF  }
0xac: {  	[dreg:$0x1] =	wrdreg $0xFFFFFFFF  }
0xad: {  	[dreg:$0x0] =	wrdreg $0x60  }
0xae: {  	[dreg:$0x2] =	wrdreg s24  }
0xaf: {  	[dreg:$0x3] =	wrdreg s2  }
0xb0: {  	[dreg:$0x4] =	wrdreg $0x65900  }
0xb1: {  	[dreg:$0x5] =	wrdreg $0x9  }
0xb2: {  	_ =	task.clear_ibuf [dreg:s7], $0x6FFFF;
	_ =	strace $0x90000046  }
0xb3: {  	s29 =	simm.s32 $0x9;
	_ =	strace $0x80000048  }
0xb4: {  	_ =	swait.ge [sflag:s29], $0x1  }
0xb5: {  	[sflag:s29] =	ssyncadd.s32 $0xFFFFFFFF  }
0xb6: {  	_ =	strace $0x90000048  }
0xb7: {  	_ =	sfence  }
0xb8: {  	s30 =	sld [smem:$0x0];
	_ =	sdelay $0x2  }
0xb9: {  	s31 =	sshll.u32 s1, $0xD;
	s1 =	sshrl.u32 s1, $0x2  }
0xba: {  	s3 =	sand.u32 $0x4000, s31;
	s1 =	sadd.s32 s1, s30  }
0xbb: {  	s0 =	sor.u32 s3, s0;
	s1 =	sshll.u32 s1, $0x11  }
0xbc: {  	s0 =	sor.u32 s1, s0  }
0xbd: {  	s0 =	sadd.s32 $0x8F2B, s0  }
0xbe: {  	[sflag:s0] =	ssyncadd.remote.s32 $0x1  }
0xbf: {  	_ =	sfence.sel $0xFFFF  }
0xc0: {  	[dreg:$0x0] =	wrdreg $0xFFFFFFFF;
	(pc) =	sbr.abs _section_cstart, $3  }
0xc1: {  	[dreg:$0x1] =	wrdreg $0xFFFFFFFF  }
0xc2: {  	_ =	task.clear_ibuf [dreg:s7], $0x2FFFF;
	_ =	strace $0x9FFFFFFF  }
0xc3: {  	(tm) =	ssettm $0x7FFFFFFF  }
tec
execute0_lowered:
.L_overlay_start_1:
0x0: {  	(tag) =	ssettag $0x1  }
0x1: {  	s7 =	rddreg [dreg:$0x0]  }
0x2: {  	s1 =	rddreg [dreg:$0x1]  }
0x3: {  	s3 =	rddreg [dreg:$0x2]  }
0x4: {  	s0 =	rddreg [dreg:$0x3];
	s4 =	simm.s32 $0x0  }
0x5: {  	s2 =	stileid.u32;
	s5 =	srdreg.scid;
	s14 =	simm.s32 $0xFA0  }
0x6: {  	s15 =	simm.s32 $0x1770;
	s16 =	simm.s32 $0x2710;
	s17 =	simm.s32 $0x1  }
0x7: {  	s18 =	simm.s32 $0x1F40;
	[smem:$0x7FF] =	sst s4;
	s8 =	smul.u32 $0x19000, s2  }
0x8: {  	s9 =	sand.u32 $0x1, s5;
	s5 =	sadd.s32 $0x1400, s7;
	s6 =	sadd.s32 $0x187E00, s7  }
0x9: {  	s30 =	sshll.u32 s2, $0x1;
	s31 =	sshll.u32 s2, $0x6;
	_ =	strace $0x80000047  }
0xa: {  	s10 =	smul.u32 $0x32000, s9;
	s11 =	ssub.s32 $0x2, s9;
	s9 =	sor.u32 s9, s30  }
0xb: {  	s19 =	sshrl.u32 s8, $0x3;
	s12 =	sshrl.u32 s11, $0x1;
	s29 =	sadd.s32 s8, s3  }
0xc: {  	s8 =	sor.u32 $0x1C02, s31;
	s9 =	smul.u32 $0xC350, s9;
	s13 =	sadd.s32 s19, s7  }
0xd: {  	s10 =	sadd.s32 s10, s7;
	s11 =	ssub.s32 s11, s12;
	s12 =	simm.s32 $0x2  }
0xe: {  	s7 =	sadd.s32 $0x33400, s13;
	s20 =	sadd.s32 $0x65400, s10;
	s10 =	smax.u32 s11, $0x1  }
0xf: {  	s11 =	sshrl.u32 s29, $0x3;
	s13 =	simm.s32 $0x7D0;
	s19 =	sadd.s32 s19, s20  }
.LBB2_1:
0x10: {  	[spmem:s11], [sflag:s8] =	dma.local [hbm:s7], $0x3200  }
0x11: {  	_ =	swait.ge [sflag:s12], $0x3200  }
0x12: {  	[sflag:s12] =	ssyncset.done $0x0  }
0x13: {  	[sflag:s12] =	ssyncadd.s32 $0xFFFFCE00  }
0x14: {  	s20 =	simm.s32 $0x0;
	[bflag:$0x0] =	sbarrier.arrive $0xFFFF  }
.LBB2_2:
0x15: {  	s21 =	smul.u32 $0x7D0, s20;
	_ =	sdelay $0x1  }
0x16: {  	s21 =	sadd.s32 s9, s21  }
0x17: {  	s21 =	sshrl.u32 s21, $0x3  }
0x18: {  	s23 =	simm.s32 $0x0;
	s22 =	sadd.s32 s6, s21  }
0x19: {  	[tilespmem:s23], [sflag:$0x2] =	stream.linear.gather [hbm4b:s22+s23], $0x7D0, $0x38;
	[tilespmem:$0x1F590] =	vst v63  }
0x1a: {  	_ =	swait.ge [sflag:s12], $0x7D0  }
0x1b: {  	[sflag:s12] =	ssyncset.done $0x0  }
0x1c: {  	s22 =	sadd.s32 $0x30D40, s22;
	[sflag:s12] =	ssyncadd.s32 $0xFFFFF830  }
0x1d: {  	[tilespmem:s13], [sflag:$0x2] =	stream.linear.gather [hbm4b:s22+s23], $0x7D0, $0x38;
	[tilespmem:$0x1F590] =	vst v63  }
0x1e: {  	_ =	swait.ge [sflag:s12], $0x7D0  }
0x1f: {  	[sflag:s12] =	ssyncset.done $0x0  }
0x20: {  	s21 =	sadd.s32 s1, s21;
	[sflag:s12] =	ssyncadd.s32 $0xFFFFF830  }
0x21: {  	[tilespmem:s14], [sflag:$0x2] =	stream.linear.gather [hbm4b:s21+s23], $0x7D0, $0x38;
	[tilespmem:$0x1F590] =	vst v63  }
0x22: {  	_ =	swait.ge [sflag:s12], $0x7D0  }
0x23: {  	[sflag:s12] =	ssyncset.done $0x0  }
0x24: {  	s21 =	simm.s32 $0x0;
	[sflag:s12] =	ssyncadd.s32 $0xFFFFF830  }
0x25: {  	v1 =	vld [tilespmem:s21+$0xFA0]  }
0x26: {  	v0 =	vld [tilespmem:s21+$0x0]  }
0x27: {  	v2 =	vld [tilespmem:s21+$0x7D0]  }
0x28: {  	s22 =	simm.s32 $0x40  }
.LBB2_3:
0x29: {  	p0 =	sne.s32 s22, $0x1F00  }
.Ltmp0:
0x2a: {  	s23 =	sshra.s32 s22, $0x2;
	s22 =	sadd.s32 $0x40, s22;
	v3 =	vmul.u32 $0x19000, v1;
	(pc) =	sbr.rel @p0 .LBB2_3-.Ltmp0, $4  }
0x2b: {  	v1 =	vld [tilespmem:s23+$0xFA0]  }
0x2c: {  	v4 =	vadd.s32 v0, v3;
	v0 =	vld [tilespmem:s23+$0x0];
	v3 =	vadd.s32 v3, v2  }
0x2d: {  	v2 =	vld [tilespmem:s23+$0x7D0];
	[tilespmem:s21+$0x1F40] =	vst v3  }
0x2e: {  	[tilespmem:s21+$0x1770] =	vst v4;
	s21 =	smov.u32 s23  }
0x2f: {  	_ = 	snop  }
0x30: {  	v1 =	vmul.u32 $0x19000, v1;
	_ =	sdelay $0x1  }
0x31: {  	v2 =	vadd.s32 v1, v2  }
0x32: {  	v0 =	vadd.s32 v0, v1;
	[tilespmem:s21+$0x1F40] =	vst v2  }
0x33: {  	[tilespmem:s21+$0x1770] =	vst v0  }
0x34: {  	[tilespmem:s16], [sflag:$0x1] =	stream.indirect.gather [hbm4b:s5+s13], $0x8, s15, s13, $0xb8;
	[tilespmem:$0x1F590] =	vst v63  }
0x35: {  	s20 =	sadd.s32 $0x1, s20;
	_ =	swait.ge [sflag:s17], $0x3E80  }
0x36: {  	p0 =	sne.s32 s20, $0x19;
	[sflag:s17] =	ssyncset.done $0x0  }
.Ltmp1:
0x37: {  	[sflag:s17] =	ssyncadd.s32 $0xFFFFC180;
	(pc) =	sbr.rel @p0 .LBB2_2-.Ltmp1, $4  }
0x38: {  	[spmem:s3] =	stream.indirect.scatter.add.f32 [tilespmem:s16], [sflag:$0x2], $0x8, s18, s13, $0xb8;
	[tilespmem:$0x1F590] =	vst v63  }
0x39: {  	_ =	swait.ge [sflag:s12], $0x3E80  }
0x3a: {  	[sflag:s12] =	ssyncset.done $0x0  }
0x3b: {  	[sflag:s12] =	ssyncadd.s32 $0xFFFFC180  }
0x3c: {  	s4 =	sadd.s32 $0x1, s4  }
0x3d: {  	p0 =	sne.s32 s4, s10  }
.Ltmp2:
0x3e: {  	[bflag:$0x0] =	sbarrier.arrive $0xFFFF;
	(pc) =	sbr.rel @p0 .LBB2_1-.Ltmp2, $4  }
0x3f: {  	[hbm:s19], [sflag:s8] =	dma.local [spmem:s11], $0x3200  }
0x40: {  	_ =	swait.ge [sflag:s12], $0x3200  }
0x41: {  	[sflag:s12] =	ssyncset.done $0x0  }
0x42: {  	[sflag:s12] =	ssyncadd.s32 $0xFFFFCE00  }
0x43: {  	_ =	sfence.sel $0x180000  }
0x44: {  	[bflag:$0x0] =	sbarrier.arrive $0xFFFF  }
0x45: {  	p0 =	sne.s32 s2, $0x0;
	_ =	strace $0x90000047  }
0x46: {  	s0 =	sadd.s32 @!p0 $0x100000, s0;
	[bflag:$0x2] =	sbarrier.arrive $0xFFFF  }
0x47: {  	[sflag:s0] =	ssyncadd.tile.s32 @!p0 $0x1;
	_ =	shalt  }
.Lfunc_end2:
_tile_overlayer_lowered:
.L_overlay_start_2:
0x48: {  	(tag) =	ssettag $0x2  }
0x49: {  	s0 =	rddreg [dreg:$0x0];
	s2 =	stileid.u32  }
0x4a: {  	s1 =	rddreg [dreg:$0x1];
	p0 =	sne.s32 s2, $0x0  }
0x4b: {  	s3 =	rddreg [dreg:$0x2];
	[bflag:$0x3] =	sbarrier.arrive $0xFFFF;
	s2 =	simm.s32 @!p0 $0x1C02  }
0x4c: {  	[timem:s3], [sflag:s2] =	dma.local @!p0 [hbm:s0], s1  }
0x4d: {  	s0 =	simm.s32 @!p0 $0x2  }
0x4e: {  	_ =	swait.ge @!p0 [sflag:s0], s1  }
0x4f: {  	s1 =	ssub.s32 @!p0 $0x0, s1;
	[sflag:s0] =	ssyncset.done @!p0 $0x0  }
0x50: {  	[sflag:s0] =	ssyncadd.s32 @!p0 s1  }
0x51: {  	[bflag:$0x3] =	sbarrier.arrive $0xFFFF  }
0x52: {  	_ =	shalt  }

</sc_bundles>
